<compile_context>
chip_gen: v7x
topology: tpu7x:2x2x1
jax: 0.10.2.dev20260603
libtpu: 0.0.44.dev20260713+nightly
codegen_flags: <defaults>
</compile_context>

<pallas_src>
import functools

import jax
import jax.numpy as jnp
from jax import lax
from jax.experimental import pallas as pl
from jax.experimental.pallas import tpu as pltpu
from jax.experimental.pallas import tpu_sc as plsc

N = 100000
G = 5000
NC = 1
NS = 16
L = 16

C1 = 6272
C2 = 6272
GPAD = 5120
ZB = GPAD // NS

_mesh = plsc.VectorSubcoreMesh(
    core_axis_name="c", subcore_axis_name="s", num_cores=NC, num_subcores=NS)


@functools.partial(
    pl.kernel,
    out_type=jax.ShapeDtypeStruct((N,), jnp.float32),
    mesh=_mesh,
    scratch_types=[
        pltpu.VMEM((C1,), jnp.float32),
        pltpu.VMEM((C1,), jnp.float32),
        pltpu.VMEM((C1 + L,), jnp.int32),
        pltpu.VMEM((ZB,), jnp.float32),
        pltpu.VMEM((GPAD,), jnp.int32),
        pltpu.VMEM((C2,), jnp.float32),
        pltpu.VMEM((GPAD,), jnp.float32),
        pltpu.VMEM((GPAD,), jnp.float32),
        pltpu.VMEM_SHARED((GPAD,), jnp.float32),
        pltpu.VMEM_SHARED((GPAD,), jnp.float32),
        pltpu.SemaphoreType.DMA,
        pltpu.SemaphoreType.DMA,
    ],
    compiler_params=pltpu.CompilerParams(needs_layout_passes=False),
)
def _charge_eq_sc(e_hbm, s_hbm, seg_hbm, out_hbm,
                  ev, sv, sr, zb, idq, ov, als, ale,
                  acc_s, acc_e, sem_in, sem_sc):
    sid = lax.axis_index("s")

    start1 = sid * C1
    base1 = jnp.minimum(start1, N - C1)
    loads = [
        pltpu.async_copy(e_hbm.at[pl.ds(base1, C1)], ev, sem_in),
        pltpu.async_copy(s_hbm.at[pl.ds(base1, C1)], sv, sem_in),
        pltpu.async_copy(seg_hbm.at[pl.ds(base1, C1)], sr.at[pl.ds(0, C1)],
                         sem_in),
    ]

    zeros16 = jnp.zeros((L,), jnp.float32)
    for k in range(ZB // L):
        zb[pl.ds(k * L, L)] = zeros16
    pltpu.sync_copy(zb, acc_s.at[pl.ds(sid * ZB, ZB)])
    pltpu.sync_copy(zb, acc_e.at[pl.ds(sid * ZB, ZB)])

    iota16 = lax.iota(jnp.int32, L)

    @plsc.parallel_loop(0, GPAD, step=L, unroll=4)
    def mk_idq(k):
        idq[pl.ds(k, L)] = k + iota16

    plsc.subcore_barrier()

    for d in loads:
        d.wait()

    sr[pl.ds(C1, L)] = jnp.full((L,), G, jnp.int32)

    skip = (start1 - base1) // L

    @pl.when(skip > 0)
    def _():
        for k in range((NS * C1 - N) // L):
            sv[pl.ds(k * L, L)] = jnp.full((L,), jnp.inf, jnp.float32)

    seg_lo = jnp.min(sr[pl.ds(0, L)])
    seg_hi = jnp.max(sr[pl.ds(C1 - L, L)])
    blo = seg_lo // 128
    nblk = seg_hi // 128 - blo + 1

    @plsc.parallel_loop(0, nblk * 128, step=L, unroll=2)
    def zero_blk(k):
        sl = pl.ds(blo * 128 + k, L)
        als[sl] = zeros16
        ale[sl] = zeros16

    lane15 = iota16 == (L - 1)

    @plsc.parallel_loop(0, C1, step=L, unroll=8)
    def p1(i):
        sl = pl.ds(i, L)
        seg = sr[sl]
        nxt = sr[pl.ds(i + 1, L)]
        sinv = 1.0 / sv[sl]
        es = ev[sl] * sinv
        cs_s = plsc.cumsum(sinv)
        cs_e = plsc.cumsum(es)
        bnd = seg != nxt
        pos = jnp.logical_or(bnd, lane15)
        neg = jnp.logical_and(bnd, jnp.logical_not(lane15))
        plsc.addupdate_scatter(als, [seg], cs_s, mask=pos)
        plsc.addupdate_scatter(ale, [seg], cs_e, mask=pos)
        plsc.addupdate_scatter(als, [nxt], -cs_s, mask=neg)
        plsc.addupdate_scatter(ale, [nxt], -cs_e, mask=neg)

    @pl.when(skip > 0)
    def _():
        pltpu.sync_copy(s_hbm.at[pl.ds(base1, NS * C1 - N)],
                        sv.at[pl.ds(0, NS * C1 - N)])

    def comb(b, carry):
        sl = pl.ds((blo + b) * 128, 128)
        d1 = pltpu.async_copy(als.at[sl], acc_s.at[idq.at[sl]], sem_sc,
                              add=True)
        d2 = pltpu.async_copy(ale.at[sl], acc_e.at[idq.at[sl]], sem_sc,
                              add=True)
        d1.wait()
        d2.wait()
        return carry

    lax.fori_loop(0, nblk, comb, 0)

    plsc.subcore_barrier()

    def pull(b, carry):
        sl = pl.ds((blo + b) * 128, 128)
        d1 = pltpu.async_copy(acc_s.at[sl], als.at[sl], sem_in)
        d2 = pltpu.async_copy(acc_e.at[sl], ale.at[sl], sem_in)
        d1.wait()
        d2.wait()
        return carry

    lax.fori_loop(0, nblk, pull, 0)

    @plsc.parallel_loop(0, C2, step=L, unroll=8)
    def p2(i):
        sl = pl.ds(i, L)
        sg = sr[sl]
        gs = plsc.load_gather(als, [sg])
        ge = plsc.load_gather(ale, [sg])
        sinv = 1.0 / sv[sl]
        ov[sl] = sinv * (ge / gs) - ev[sl] * sinv

    pltpu.sync_copy(ov, out_hbm.at[pl.ds(base1, C2)])


def kernel(e, s, segment_ids):
    out = _charge_eq_sc(e.reshape(N), s.reshape(N), segment_ids)
    return out.reshape(N, 1)

# --- scband reference (transcript-rebuilt; emitter-appended) ---
"""Pipeline reference for scband-charge-equilibrium-17746804867198 (READ-ONLY COPY).

The authoritative reference and input builder live on the scoring server;
editing this copy changes nothing except your own understanding.
"""

import jax, jax.numpy as jnp
import numpy as np

N = 100000
G = 5000
TOTAL_CHARGE = 0.0

def setup_inputs(seed: int = 0) -> dict:
    key = jax.random.key(seed)
    k1, k2, k3 = jax.random.split(key, 3)
    e = jax.random.normal(k1, (N, 1), dtype=jnp.float32)
    # hardness must be positive and bounded away from zero
    s = jax.random.uniform(k2, (N, 1), dtype=jnp.float32) + 0.5
    segment_ids = jnp.sort(jax.random.randint(k3, (N,), 0, G, dtype=jnp.int32))
    return {"e": e, "s": s, "segment_ids": segment_ids}

def reference(e, s, segment_ids):
    # DGL heterograph flattened: n1 atoms -> g molecules via segment_ids.
    # apply_nodes: s_inv, e_s_inv
    s_inv = s ** (-1)
    e_s_inv = e * s_inv
    # no 'q' in node data -> sum_q = total_charge per molecule (g nodes)
    sum_q = jnp.ones((G, 1), dtype=e.dtype) * TOTAL_CHARGE
    # update_all n1_in_g: per-molecule sums (scatter-add / segment_sum)
    sum_s_inv = jax.ops.segment_sum(s_inv, segment_ids, num_segments=G)
    sum_e_s_inv = jax.ops.segment_sum(e_s_inv, segment_ids, num_segments=G)
    # update_all g_has_n1: broadcast molecule-level sums back to atoms (gather)
    sum_q_a = sum_q[segment_ids]
    sum_s_inv_a = sum_s_inv[segment_ids]
    sum_e_s_inv_a = sum_e_s_inv[segment_ids]
    # get_charges (Lagrange multiplier analytic solution)
    q_hat = -e * s_inv + s_inv * ((sum_q_a + sum_e_s_inv_a) / sum_s_inv_a)
    return q_hat

if __name__ == "__main__":
    import jax
    _d = setup_inputs()
    print(jax.jit(kernel)(*tuple(_d.values())))

</pallas_src>

<mosaic_0001>
#map = affine_map<(d0, d1) -> (0)>
module attributes {stable_mosaic.version = 14 : i64} {
  func.func @_charge_eq_sc(%arg0: i32, %arg1: i32, %arg2: memref<100000xf32, #tpu.memory_space<hbm>>, %arg3: memref<100000xf32, #tpu.memory_space<hbm>>, %arg4: memref<100000xi32, #tpu.memory_space<hbm>>, %arg5: memref<100000xf32, #tpu.memory_space<hbm>>, %arg6: memref<6272xf32, #tpu.memory_space<vmem>>, %arg7: memref<6272xf32, #tpu.memory_space<vmem>>, %arg8: memref<6288xi32, #tpu.memory_space<vmem>>, %arg9: memref<320xf32, #tpu.memory_space<vmem>>, %arg10: memref<5120xi32, #tpu.memory_space<vmem>>, %arg11: memref<6272xf32, #tpu.memory_space<vmem>>, %arg12: memref<5120xf32, #tpu.memory_space<vmem>>, %arg13: memref<5120xf32, #tpu.memory_space<vmem>>, %arg14: memref<5120xf32, #tpu.memory_space<vmem_shared>>, %arg15: memref<5120xf32, #tpu.memory_space<vmem_shared>>, %arg16: memref<!tpu.dma_semaphore, #tpu.memory_space<semaphore_mem>>, %arg17: memref<!tpu.dma_semaphore, #tpu.memory_space<semaphore_mem>>) attributes {dimension_semantics = [#tpu.dimension_semantics<core_parallel>, #tpu.dimension_semantics<subcore_parallel>], iteration_bounds = array<i64: 1, 16>, scalar_prefetch = 0 : i64, scratch_operands = 12 : i64, tpu.core_type = #tpu.core_type<sc_vector_subcore>, window_params = [{transform_indices = #map}, {transform_indices = #map}, {transform_indices = #map}, {transform_indices = #map}]} {
    %mul3A = arith.constant 6272 : i32
    %mul3A_0 = arith.muli %arg1, %mul3A : i32
    %min3A = arith.constant 93728 : i32
    %min3A_1 = arith.minsi %mul3A_0, %min3A : i32
    %dma_start3A = tpu.memref_slice %arg2[%min3A_1] : memref<100000xf32, #tpu.memory_space<hbm>> -> memref<6272xf32, #tpu.memory_space<hbm>>
    %dma_start3A_2 = tpu.memref_slice %arg2[%min3A_1] : memref<100000xf32, #tpu.memory_space<hbm>> -> memref<6272xf32, #tpu.memory_space<hbm>>
    tpu.enqueue_dma source(%dma_start3A_2 : memref<6272xf32, #tpu.memory_space<hbm>>) target(%arg6 : memref<6272xf32, #tpu.memory_space<vmem>>) target_semaphore(%arg16 : memref<!tpu.dma_semaphore, #tpu.memory_space<semaphore_mem>>)
    %dma_start3A_3 = tpu.memref_slice %arg3[%min3A_1] : memref<100000xf32, #tpu.memory_space<hbm>> -> memref<6272xf32, #tpu.memory_space<hbm>>
    %dma_start3A_4 = tpu.memref_slice %arg3[%min3A_1] : memref<100000xf32, #tpu.memory_space<hbm>> -> memref<6272xf32, #tpu.memory_space<hbm>>
    tpu.enqueue_dma source(%dma_start3A_4 : memref<6272xf32, #tpu.memory_space<hbm>>) target(%arg7 : memref<6272xf32, #tpu.memory_space<vmem>>) target_semaphore(%arg16 : memref<!tpu.dma_semaphore, #tpu.memory_space<semaphore_mem>>)
    %dma_start3A_5 = arith.constant 0 : i32
    %dma_start3A_6 = tpu.memref_slice %arg8[%dma_start3A_5] : memref<6288xi32, #tpu.memory_space<vmem>> -> memref<6272xi32, #tpu.memory_space<vmem>>
    %dma_start3A_7 = tpu.memref_slice %arg4[%min3A_1] : memref<100000xi32, #tpu.memory_space<hbm>> -> memref<6272xi32, #tpu.memory_space<hbm>>
    %dma_start3A_8 = arith.constant 0 : i32
    %dma_start3A_9 = tpu.memref_slice %arg8[%dma_start3A_8] : memref<6288xi32, #tpu.memory_space<vmem>> -> memref<6272xi32, #tpu.memory_space<vmem>>
    %dma_start3A_10 = tpu.memref_slice %arg4[%min3A_1] : memref<100000xi32, #tpu.memory_space<hbm>> -> memref<6272xi32, #tpu.memory_space<hbm>>
    tpu.enqueue_dma source(%dma_start3A_10 : memref<6272xi32, #tpu.memory_space<hbm>>) target(%dma_start3A_9 : memref<6272xi32, #tpu.memory_space<vmem>>) target_semaphore(%arg16 : memref<!tpu.dma_semaphore, #tpu.memory_space<semaphore_mem>>)
    %broadcast_in_dim3A = arith.constant 0.000000e+00 : f32
    %broadcast_in_dim3A_11 = vector.broadcast %broadcast_in_dim3A : f32 to vector<16xf32>
    %swap3A = arith.constant 0 : index
    %swap3A_12 = tpu.vector_load %arg9[%swap3A] {strides = array<i32>} : memref<320xf32, #tpu.memory_space<vmem>>, vector<16xf32>,
    tpu.vector_store %arg9[%swap3A], %broadcast_in_dim3A_11 {strides = array<i32>} : memref<320xf32, #tpu.memory_space<vmem>>, vector<16xf32>,
    %swap3A_13 = arith.constant 16 : index
    %swap3A_14 = tpu.vector_load %arg9[%swap3A_13] {strides = array<i32>} : memref<320xf32, #tpu.memory_space<vmem>>, vector<16xf32>,
    tpu.vector_store %arg9[%swap3A_13], %broadcast_in_dim3A_11 {strides = array<i32>} : memref<320xf32, #tpu.memory_space<vmem>>, vector<16xf32>,
    %swap3A_15 = arith.constant 32 : index
    %swap3A_16 = tpu.vector_load %arg9[%swap3A_15] {strides = array<i32>} : memref<320xf32, #tpu.memory_space<vmem>>, vector<16xf32>,
    tpu.vector_store %arg9[%swap3A_15], %broadcast_in_dim3A_11 {strides = array<i32>} : memref<320xf32, #tpu.memory_space<vmem>>, vector<16xf32>,
    %swap3A_17 = arith.constant 48 : index
    %swap3A_18 = tpu.vector_load %arg9[%swap3A_17] {strides = array<i32>} : memref<320xf32, #tpu.memory_space<vmem>>, vector<16xf32>,
    tpu.vector_store %arg9[%swap3A_17], %broadcast_in_dim3A_11 {strides = array<i32>} : memref<320xf32, #tpu.memory_space<vmem>>, vector<16xf32>,
    %swap3A_19 = arith.constant 64 : index
    %swap3A_20 = tpu.vector_load %arg9[%swap3A_19] {strides = array<i32>} : memref<320xf32, #tpu.memory_space<vmem>>, vector<16xf32>,
    tpu.vector_store %arg9[%swap3A_19], %broadcast_in_dim3A_11 {strides = array<i32>} : memref<320xf32, #tpu.memory_space<vmem>>, vector<16xf32>,
    %swap3A_21 = arith.constant 80 : index
    %swap3A_22 = tpu.vector_load %arg9[%swap3A_21] {strides = array<i32>} : memref<320xf32, #tpu.memory_space<vmem>>, vector<16xf32>,
    tpu.vector_store %arg9[%swap3A_21], %broadcast_in_dim3A_11 {strides = array<i32>} : memref<320xf32, #tpu.memory_space<vmem>>, vector<16xf32>,
    %swap3A_23 = arith.constant 96 : index
    %swap3A_24 = tpu.vector_load %arg9[%swap3A_23] {strides = array<i32>} : memref<320xf32, #tpu.memory_space<vmem>>, vector<16xf32>,
    tpu.vector_store %arg9[%swap3A_23], %broadcast_in_dim3A_11 {strides = array<i32>} : memref<320xf32, #tpu.memory_space<vmem>>, vector<16xf32>,
    %swap3A_25 = arith.constant 112 : index
    %swap3A_26 = tpu.vector_load %arg9[%swap3A_25] {strides = array<i32>} : memref<320xf32, #tpu.memory_space<vmem>>, vector<16xf32>,
    tpu.vector_store %arg9[%swap3A_25], %broadcast_in_dim3A_11 {strides = array<i32>} : memref<320xf32, #tpu.memory_space<vmem>>, vector<16xf32>,
    %swap3A_27 = arith.constant 128 : index
    %swap3A_28 = tpu.vector_load %arg9[%swap3A_27] {strides = array<i32>} : memref<320xf32, #tpu.memory_space<vmem>>, vector<16xf32>,
    tpu.vector_store %arg9[%swap3A_27], %broadcast_in_dim3A_11 {strides = array<i32>} : memref<320xf32, #tpu.memory_space<vmem>>, vector<16xf32>,
    %swap3A_29 = arith.constant 144 : index
    %swap3A_30 = tpu.vector_load %arg9[%swap3A_29] {strides = array<i32>} : memref<320xf32, #tpu.memory_space<vmem>>, vector<16xf32>,
    tpu.vector_store %arg9[%swap3A_29], %broadcast_in_dim3A_11 {strides = array<i32>} : memref<320xf32, #tpu.memory_space<vmem>>, vector<16xf32>,
    %swap3A_31 = arith.constant 160 : index
    %swap3A_32 = tpu.vector_load %arg9[%swap3A_31] {strides = array<i32>} : memref<320xf32, #tpu.memory_space<vmem>>, vector<16xf32>,
    tpu.vector_store %arg9[%swap3A_31], %broadcast_in_dim3A_11 {strides = array<i32>} : memref<320xf32, #tpu.memory_space<vmem>>, vector<16xf32>,
    %swap3A_33 = arith.constant 176 : index
    %swap3A_34 = tpu.vector_load %arg9[%swap3A_33] {strides = array<i32>} : memref<320xf32, #tpu.memory_space<vmem>>, vector<16xf32>,
    tpu.vector_store %arg9[%swap3A_33], %broadcast_in_dim3A_11 {strides = array<i32>} : memref<320xf32, #tpu.memory_space<vmem>>, vector<16xf32>,
    %swap3A_35 = arith.constant 192 : index
    %swap3A_36 = tpu.vector_load %arg9[%swap3A_35] {strides = array<i32>} : memref<320xf32, #tpu.memory_space<vmem>>, vector<16xf32>,
    tpu.vector_store %arg9[%swap3A_35], %broadcast_in_dim3A_11 {strides = array<i32>} : memref<320xf32, #tpu.memory_space<vmem>>, vector<16xf32>,
    %swap3A_37 = arith.constant 208 : index
    %swap3A_38 = tpu.vector_load %arg9[%swap3A_37] {strides = array<i32>} : memref<320xf32, #tpu.memory_space<vmem>>, vector<16xf32>,
    tpu.vector_store %arg9[%swap3A_37], %broadcast_in_dim3A_11 {strides = array<i32>} : memref<320xf32, #tpu.memory_space<vmem>>, vector<16xf32>,
    %swap3A_39 = arith.constant 224 : index
    %swap3A_40 = tpu.vector_load %arg9[%swap3A_39] {strides = array<i32>} : memref<320xf32, #tpu.memory_space<vmem>>, vector<16xf32>,
    tpu.vector_store %arg9[%swap3A_39], %broadcast_in_dim3A_11 {strides = array<i32>} : memref<320xf32, #tpu.memory_space<vmem>>, vector<16xf32>,
    %swap3A_41 = arith.constant 240 : index
    %swap3A_42 = tpu.vector_load %arg9[%swap3A_41] {strides = array<i32>} : memref<320xf32, #tpu.memory_space<vmem>>, vector<16xf32>,
    tpu.vector_store %arg9[%swap3A_41], %broadcast_in_dim3A_11 {strides = array<i32>} : memref<320xf32, #tpu.memory_space<vmem>>, vector<16xf32>,
    %swap3A_43 = arith.constant 256 : index
    %swap3A_44 = tpu.vector_load %arg9[%swap3A_43] {strides = array<i32>} : memref<320xf32, #tpu.memory_space<vmem>>, vector<16xf32>,
    tpu.vector_store %arg9[%swap3A_43], %broadcast_in_dim3A_11 {strides = array<i32>} : memref<320xf32, #tpu.memory_space<vmem>>, vector<16xf32>,
    %swap3A_45 = arith.constant 272 : index
    %swap3A_46 = tpu.vector_load %arg9[%swap3A_45] {strides = array<i32>} : memref<320xf32, #tpu.memory_space<vmem>>, vector<16xf32>,
    tpu.vector_store %arg9[%swap3A_45], %broadcast_in_dim3A_11 {strides = array<i32>} : memref<320xf32, #tpu.memory_space<vmem>>, vector<16xf32>,
    %swap3A_47 = arith.constant 288 : index
    %swap3A_48 = tpu.vector_load %arg9[%swap3A_47] {strides = array<i32>} : memref<320xf32, #tpu.memory_space<vmem>>, vector<16xf32>,
    tpu.vector_store %arg9[%swap3A_47], %broadcast_in_dim3A_11 {strides = array<i32>} : memref<320xf32, #tpu.memory_space<vmem>>, vector<16xf32>,
    %swap3A_49 = arith.constant 304 : index
    %swap3A_50 = tpu.vector_load %arg9[%swap3A_49] {strides = array<i32>} : memref<320xf32, #tpu.memory_space<vmem>>, vector<16xf32>,
    tpu.vector_store %arg9[%swap3A_49], %broadcast_in_dim3A_11 {strides = array<i32>} : memref<320xf32, #tpu.memory_space<vmem>>, vector<16xf32>,
    %mul3A_51 = arith.constant 320 : i32
    %mul3A_52 = arith.muli %arg1, %mul3A_51 : i32
    "tpu.region"() ({
      %run_scoped3A = tpu.sem_alloc : memref<!tpu.dma_semaphore, #tpu.memory_space<semaphore_mem>>
      %dma_start3A_193 = tpu.memref_slice %arg14[%mul3A_52] : memref<5120xf32, #tpu.memory_space<vmem_shared>> -> memref<320xf32, #tpu.memory_space<vmem_shared>>
      %dma_start3A_194 = tpu.memref_slice %arg14[%mul3A_52] : memref<5120xf32, #tpu.memory_space<vmem_shared>> -> memref<320xf32, #tpu.memory_space<vmem_shared>>
      tpu.enqueue_dma source(%arg9 : memref<320xf32, #tpu.memory_space<vmem>>) target(%dma_start3A_194 : memref<320xf32, #tpu.memory_space<vmem_shared>>) target_semaphore(%run_scoped3A : memref<!tpu.dma_semaphore, #tpu.memory_space<semaphore_mem>>)
      %dma_wait3A_195 = tpu.memref_slice %arg14[%mul3A_52] : memref<5120xf32, #tpu.memory_space<vmem_shared>> -> memref<320xf32, #tpu.memory_space<vmem_shared>>
      %dma_wait3A_196 = tpu.memref_slice %arg14[%mul3A_52] : memref<5120xf32, #tpu.memory_space<vmem_shared>> -> memref<320xf32, #tpu.memory_space<vmem_shared>>
      tpu.wait_dma2 semaphore(%run_scoped3A : memref<!tpu.dma_semaphore, #tpu.memory_space<semaphore_mem>>) src(%arg9 : memref<320xf32, #tpu.memory_space<vmem>>) dst(%dma_wait3A_196 : memref<320xf32, #tpu.memory_space<vmem_shared>>)
      tpu.yield
    }) : () -> ()
    %mul3A_53 = arith.constant 320 : i32
    %mul3A_54 = arith.muli %arg1, %mul3A_53 : i32
    "tpu.region"() ({
      %run_scoped3A = tpu.sem_alloc : memref<!tpu.dma_semaphore, #tpu.memory_space<semaphore_mem>>
      %dma_start3A_193 = tpu.memref_slice %arg15[%mul3A_54] : memref<5120xf32, #tpu.memory_space<vmem_shared>> -> memref<320xf32, #tpu.memory_space<vmem_shared>>
      %dma_start3A_194 = tpu.memref_slice %arg15[%mul3A_54] : memref<5120xf32, #tpu.memory_space<vmem_shared>> -> memref<320xf32, #tpu.memory_space<vmem_shared>>
      tpu.enqueue_dma source(%arg9 : memref<320xf32, #tpu.memory_space<vmem>>) target(%dma_start3A_194 : memref<320xf32, #tpu.memory_space<vmem_shared>>) target_semaphore(%run_scoped3A : memref<!tpu.dma_semaphore, #tpu.memory_space<semaphore_mem>>)
      %dma_wait3A_195 = tpu.memref_slice %arg15[%mul3A_54] : memref<5120xf32, #tpu.memory_space<vmem_shared>> -> memref<320xf32, #tpu.memory_space<vmem_shared>>
      %dma_wait3A_196 = tpu.memref_slice %arg15[%mul3A_54] : memref<5120xf32, #tpu.memory_space<vmem_shared>> -> memref<320xf32, #tpu.memory_space<vmem_shared>>
      tpu.wait_dma2 semaphore(%run_scoped3A : memref<!tpu.dma_semaphore, #tpu.memory_space<semaphore_mem>>) src(%arg9 : memref<320xf32, #tpu.memory_space<vmem>>) dst(%dma_wait3A_196 : memref<320xf32, #tpu.memory_space<vmem_shared>>)
      tpu.yield
    }) : () -> ()
    %iota3A = tpu.iota {dimensions = array<i32: 0>} : vector<16xi32>
    %parallel_loop3A = arith.constant 0 : i32
    %parallel_loop3A_55 = arith.constant 5120 : i32
    %parallel_loop3A_56 = arith.constant 16 : i32
    scf.for %parallel_loop3A_193 = %parallel_loop3A to %parallel_loop3A_55 step %parallel_loop3A_56  : i32 {
      %parallel_loop3A_194 = vector.broadcast %parallel_loop3A_193 : i32 to vector<16xi32>
      %parallel_loop3A_195 = arith.addi %parallel_loop3A_194, %iota3A : vector<16xi32>
      %parallel_loop3A_196 = arith.index_cast %parallel_loop3A_193 : i32 to index
      %parallel_loop3A_197 = tpu.vector_load %arg10[%parallel_loop3A_196] {strides = array<i32>} : memref<5120xi32, #tpu.memory_space<vmem>>, vector<16xi32>,
      tpu.vector_store %arg10[%parallel_loop3A_196], %parallel_loop3A_195 {strides = array<i32>} : memref<5120xi32, #tpu.memory_space<vmem>>, vector<16xi32>,
    } {sc.loop_unroll_factor = 4 : i64, sc.parallel_access}
    %barrier3A = arith.constant 0 : index
    tpu.barrier barrier_id(%barrier3A)
    %dma_wait3A = tpu.memref_slice %arg2[%min3A_1] : memref<100000xf32, #tpu.memory_space<hbm>> -> memref<6272xf32, #tpu.memory_space<hbm>>
    %dma_wait3A_57 = tpu.memref_slice %arg2[%min3A_1] : memref<100000xf32, #tpu.memory_space<hbm>> -> memref<6272xf32, #tpu.memory_space<hbm>>
    tpu.wait_dma2 semaphore(%arg16 : memref<!tpu.dma_semaphore, #tpu.memory_space<semaphore_mem>>) src(%dma_wait3A_57 : memref<6272xf32, #tpu.memory_space<hbm>>) dst(%arg6 : memref<6272xf32, #tpu.memory_space<vmem>>)
    %dma_wait3A_58 = tpu.memref_slice %arg3[%min3A_1] : memref<100000xf32, #tpu.memory_space<hbm>> -> memref<6272xf32, #tpu.memory_space<hbm>>
    %dma_wait3A_59 = tpu.memref_slice %arg3[%min3A_1] : memref<100000xf32, #tpu.memory_space<hbm>> -> memref<6272xf32, #tpu.memory_space<hbm>>
    tpu.wait_dma2 semaphore(%arg16 : memref<!tpu.dma_semaphore, #tpu.memory_space<semaphore_mem>>) src(%dma_wait3A_59 : memref<6272xf32, #tpu.memory_space<hbm>>) dst(%arg7 : memref<6272xf32, #tpu.memory_space<vmem>>)
    %dma_wait3A_60 = arith.constant 0 : i32
    %dma_wait3A_61 = tpu.memref_slice %arg8[%dma_wait3A_60] : memref<6288xi32, #tpu.memory_space<vmem>> -> memref<6272xi32, #tpu.memory_space<vmem>>
    %dma_wait3A_62 = tpu.memref_slice %arg4[%min3A_1] : memref<100000xi32, #tpu.memory_space<hbm>> -> memref<6272xi32, #tpu.memory_space<hbm>>
    %dma_wait3A_63 = arith.constant 0 : i32
    %dma_wait3A_64 = tpu.memref_slice %arg8[%dma_wait3A_63] : memref<6288xi32, #tpu.memory_space<vmem>> -> memref<6272xi32, #tpu.memory_space<vmem>>
    %dma_wait3A_65 = tpu.memref_slice %arg4[%min3A_1] : memref<100000xi32, #tpu.memory_space<hbm>> -> memref<6272xi32, #tpu.memory_space<hbm>>
    tpu.wait_dma2 semaphore(%arg16 : memref<!tpu.dma_semaphore, #tpu.memory_space<semaphore_mem>>) src(%dma_wait3A_65 : memref<6272xi32, #tpu.memory_space<hbm>>) dst(%dma_wait3A_64 : memref<6272xi32, #tpu.memory_space<vmem>>)
    %broadcast_in_dim3A_66 = arith.constant 5000 : i32
    %broadcast_in_dim3A_67 = vector.broadcast %broadcast_in_dim3A_66 : i32 to vector<16xi32>
    %swap3A_68 = arith.constant 6272 : index
    %swap3A_69 = tpu.vector_load %arg8[%swap3A_68] {strides = array<i32>} : memref<6288xi32, #tpu.memory_space<vmem>>, vector<16xi32>,
    tpu.vector_store %arg8[%swap3A_68], %broadcast_in_dim3A_67 {strides = array<i32>} : memref<6288xi32, #tpu.memory_space<vmem>>, vector<16xi32>,
    %sub3A = arith.subi %mul3A_0, %min3A_1 : i32
    %jit3A = arith.constant 16 : i32
    %div3A = arith.divsi %sub3A, %jit3A : i32
    %sign3A = arith.constant 0 : i32
    %sign3A_70 = arith.cmpi sgt, %sub3A, %sign3A : i32
    %sign3A_71 = arith.extui %sign3A_70 : i1 to i32
    %sign3A_72 = arith.constant 0 : i32
    %sign3A_73 = arith.cmpi slt, %sub3A, %sign3A_72 : i32
    %sign3A_74 = arith.extui %sign3A_73 : i1 to i32
    %sign3A_75 = arith.subi %sign3A_71, %sign3A_74 : i32
    %sign3A_76 = arith.constant 0 : i32
    %sign3A_77 = arith.cmpi sgt, %jit3A, %sign3A_76 : i32
    %sign3A_78 = arith.extui %sign3A_77 : i1 to i32
    %sign3A_79 = arith.constant 0 : i32
    %sign3A_80 = arith.cmpi slt, %jit3A, %sign3A_79 : i32
    %sign3A_81 = arith.extui %sign3A_80 : i1 to i32
    %sign3A_82 = arith.subi %sign3A_78, %sign3A_81 : i32
    %ne3A = arith.cmpi ne, %sign3A_75, %sign3A_82 : i32
    %rem3A = arith.remsi %sub3A, %jit3A : i32
    %ne3A_83 = arith.constant 0 : i32
    %ne3A_84 = arith.cmpi ne, %rem3A, %ne3A_83 : i32
    %and3A = arith.andi %ne3A, %ne3A_84 : i1
    %sub3A_85 = arith.constant 1 : i32
    %sub3A_86 = arith.subi %div3A, %sub3A_85 : i32
    %select_n3A = arith.select %and3A, %sub3A_86, %div3A : i32
    %gt3A = arith.constant 0 : i32
    %gt3A_87 = arith.cmpi sgt, %select_n3A, %gt3A : i32
    %convert_element_type3A = arith.extui %gt3A_87 : i1 to i32
    %cond3A = arith.constant 0 : i32
    %cond3A_88 = arith.cmpi ne, %convert_element_type3A, %cond3A : i32
    scf.if %cond3A_88 {
      %broadcast_in_dim3A_193 = arith.constant 0x7F800000 : f32
      %broadcast_in_dim3A_194 = vector.broadcast %broadcast_in_dim3A_193 : f32 to vector<16xf32>
      %swap3A_195 = arith.constant 0 : index
      %swap3A_196 = tpu.vector_load %arg7[%swap3A_195] {strides = array<i32>} : memref<6272xf32, #tpu.memory_space<vmem>>, vector<16xf32>,
      tpu.vector_store %arg7[%swap3A_195], %broadcast_in_dim3A_194 {strides = array<i32>} : memref<6272xf32, #tpu.memory_space<vmem>>, vector<16xf32>,
      %broadcast_in_dim3A_197 = arith.constant 0x7F800000 : f32
      %broadcast_in_dim3A_198 = vector.broadcast %broadcast_in_dim3A_197 : f32 to vector<16xf32>
      %swap3A_199 = arith.constant 16 : index
      %swap3A_200 = tpu.vector_load %arg7[%swap3A_199] {strides = array<i32>} : memref<6272xf32, #tpu.memory_space<vmem>>, vector<16xf32>,
      tpu.vector_store %arg7[%swap3A_199], %broadcast_in_dim3A_198 {strides = array<i32>} : memref<6272xf32, #tpu.memory_space<vmem>>, vector<16xf32>,
      %broadcast_in_dim3A_201 = arith.constant 0x7F800000 : f32
      %broadcast_in_dim3A_202 = vector.broadcast %broadcast_in_dim3A_201 : f32 to vector<16xf32>
      %swap3A_203 = arith.constant 32 : index
      %swap3A_204 = tpu.vector_load %arg7[%swap3A_203] {strides = array<i32>} : memref<6272xf32, #tpu.memory_space<vmem>>, vector<16xf32>,
      tpu.vector_store %arg7[%swap3A_203], %broadcast_in_dim3A_202 {strides = array<i32>} : memref<6272xf32, #tpu.memory_space<vmem>>, vector<16xf32>,
      %broadcast_in_dim3A_205 = arith.constant 0x7F800000 : f32
      %broadcast_in_dim3A_206 = vector.broadcast %broadcast_in_dim3A_205 : f32 to vector<16xf32>
      %swap3A_207 = arith.constant 48 : index
      %swap3A_208 = tpu.vector_load %arg7[%swap3A_207] {strides = array<i32>} : memref<6272xf32, #tpu.memory_space<vmem>>, vector<16xf32>,
      tpu.vector_store %arg7[%swap3A_207], %broadcast_in_dim3A_206 {strides = array<i32>} : memref<6272xf32, #tpu.memory_space<vmem>>, vector<16xf32>,
      %broadcast_in_dim3A_209 = arith.constant 0x7F800000 : f32
      %broadcast_in_dim3A_210 = vector.broadcast %broadcast_in_dim3A_209 : f32 to vector<16xf32>
      %swap3A_211 = arith.constant 64 : index
      %swap3A_212 = tpu.vector_load %arg7[%swap3A_211] {strides = array<i32>} : memref<6272xf32, #tpu.memory_space<vmem>>, vector<16xf32>,
      tpu.vector_store %arg7[%swap3A_211], %broadcast_in_dim3A_210 {strides = array<i32>} : memref<6272xf32, #tpu.memory_space<vmem>>, vector<16xf32>,
      %broadcast_in_dim3A_213 = arith.constant 0x7F800000 : f32
      %broadcast_in_dim3A_214 = vector.broadcast %broadcast_in_dim3A_213 : f32 to vector<16xf32>
      %swap3A_215 = arith.constant 80 : index
      %swap3A_216 = tpu.vector_load %arg7[%swap3A_215] {strides = array<i32>} : memref<6272xf32, #tpu.memory_space<vmem>>, vector<16xf32>,
      tpu.vector_store %arg7[%swap3A_215], %broadcast_in_dim3A_214 {strides = array<i32>} : memref<6272xf32, #tpu.memory_space<vmem>>, vector<16xf32>,
      %broadcast_in_dim3A_217 = arith.constant 0x7F800000 : f32
      %broadcast_in_dim3A_218 = vector.broadcast %broadcast_in_dim3A_217 : f32 to vector<16xf32>
      %swap3A_219 = arith.constant 96 : index
      %swap3A_220 = tpu.vector_load %arg7[%swap3A_219] {strides = array<i32>} : memref<6272xf32, #tpu.memory_space<vmem>>, vector<16xf32>,
      tpu.vector_store %arg7[%swap3A_219], %broadcast_in_dim3A_218 {strides = array<i32>} : memref<6272xf32, #tpu.memory_space<vmem>>, vector<16xf32>,
      %broadcast_in_dim3A_221 = arith.constant 0x7F800000 : f32
      %broadcast_in_dim3A_222 = vector.broadcast %broadcast_in_dim3A_221 : f32 to vector<16xf32>
      %swap3A_223 = arith.constant 112 : index
      %swap3A_224 = tpu.vector_load %arg7[%swap3A_223] {strides = array<i32>} : memref<6272xf32, #tpu.memory_space<vmem>>, vector<16xf32>,
      tpu.vector_store %arg7[%swap3A_223], %broadcast_in_dim3A_222 {strides = array<i32>} : memref<6272xf32, #tpu.memory_space<vmem>>, vector<16xf32>,
      %broadcast_in_dim3A_225 = arith.constant 0x7F800000 : f32
      %broadcast_in_dim3A_226 = vector.broadcast %broadcast_in_dim3A_225 : f32 to vector<16xf32>
      %swap3A_227 = arith.constant 128 : index
      %swap3A_228 = tpu.vector_load %arg7[%swap3A_227] {strides = array<i32>} : memref<6272xf32, #tpu.memory_space<vmem>>, vector<16xf32>,
      tpu.vector_store %arg7[%swap3A_227], %broadcast_in_dim3A_226 {strides = array<i32>} : memref<6272xf32, #tpu.memory_space<vmem>>, vector<16xf32>,
      %broadcast_in_dim3A_229 = arith.constant 0x7F800000 : f32
      %broadcast_in_dim3A_230 = vector.broadcast %broadcast_in_dim3A_229 : f32 to vector<16xf32>
      %swap3A_231 = arith.constant 144 : index
      %swap3A_232 = tpu.vector_load %arg7[%swap3A_231] {strides = array<i32>} : memref<6272xf32, #tpu.memory_space<vmem>>, vector<16xf32>,
      tpu.vector_store %arg7[%swap3A_231], %broadcast_in_dim3A_230 {strides = array<i32>} : memref<6272xf32, #tpu.memory_space<vmem>>, vector<16xf32>,
      %broadcast_in_dim3A_233 = arith.constant 0x7F800000 : f32
      %broadcast_in_dim3A_234 = vector.broadcast %broadcast_in_dim3A_233 : f32 to vector<16xf32>
      %swap3A_235 = arith.constant 160 : index
      %swap3A_236 = tpu.vector_load %arg7[%swap3A_235] {strides = array<i32>} : memref<6272xf32, #tpu.memory_space<vmem>>, vector<16xf32>,
      tpu.vector_store %arg7[%swap3A_235], %broadcast_in_dim3A_234 {strides = array<i32>} : memref<6272xf32, #tpu.memory_space<vmem>>, vector<16xf32>,
      %broadcast_in_dim3A_237 = arith.constant 0x7F800000 : f32
      %broadcast_in_dim3A_238 = vector.broadcast %broadcast_in_dim3A_237 : f32 to vector<16xf32>
      %swap3A_239 = arith.constant 176 : index
      %swap3A_240 = tpu.vector_load %arg7[%swap3A_239] {strides = array<i32>} : memref<6272xf32, #tpu.memory_space<vmem>>, vector<16xf32>,
      tpu.vector_store %arg7[%swap3A_239], %broadcast_in_dim3A_238 {strides = array<i32>} : memref<6272xf32, #tpu.memory_space<vmem>>, vector<16xf32>,
      %broadcast_in_dim3A_241 = arith.constant 0x7F800000 : f32
      %broadcast_in_dim3A_242 = vector.broadcast %broadcast_in_dim3A_241 : f32 to vector<16xf32>
      %swap3A_243 = arith.constant 192 : index
      %swap3A_244 = tpu.vector_load %arg7[%swap3A_243] {strides = array<i32>} : memref<6272xf32, #tpu.memory_space<vmem>>, vector<16xf32>,
      tpu.vector_store %arg7[%swap3A_243], %broadcast_in_dim3A_242 {strides = array<i32>} : memref<6272xf32, #tpu.memory_space<vmem>>, vector<16xf32>,
      %broadcast_in_dim3A_245 = arith.constant 0x7F800000 : f32
      %broadcast_in_dim3A_246 = vector.broadcast %broadcast_in_dim3A_245 : f32 to vector<16xf32>
      %swap3A_247 = arith.constant 208 : index
      %swap3A_248 = tpu.vector_load %arg7[%swap3A_247] {strides = array<i32>} : memref<6272xf32, #tpu.memory_space<vmem>>, vector<16xf32>,
      tpu.vector_store %arg7[%swap3A_247], %broadcast_in_dim3A_246 {strides = array<i32>} : memref<6272xf32, #tpu.memory_space<vmem>>, vector<16xf32>,
      %broadcast_in_dim3A_249 = arith.constant 0x7F800000 : f32
      %broadcast_in_dim3A_250 = vector.broadcast %broadcast_in_dim3A_249 : f32 to vector<16xf32>
      %swap3A_251 = arith.constant 224 : index
      %swap3A_252 = tpu.vector_load %arg7[%swap3A_251] {strides = array<i32>} : memref<6272xf32, #tpu.memory_space<vmem>>, vector<16xf32>,
      tpu.vector_store %arg7[%swap3A_251], %broadcast_in_dim3A_250 {strides = array<i32>} : memref<6272xf32, #tpu.memory_space<vmem>>, vector<16xf32>,
      %broadcast_in_dim3A_253 = arith.constant 0x7F800000 : f32
      %broadcast_in_dim3A_254 = vector.broadcast %broadcast_in_dim3A_253 : f32 to vector<16xf32>
      %swap3A_255 = arith.constant 240 : index
      %swap3A_256 = tpu.vector_load %arg7[%swap3A_255] {strides = array<i32>} : memref<6272xf32, #tpu.memory_space<vmem>>, vector<16xf32>,
      tpu.vector_store %arg7[%swap3A_255], %broadcast_in_dim3A_254 {strides = array<i32>} : memref<6272xf32, #tpu.memory_space<vmem>>, vector<16xf32>,
      %broadcast_in_dim3A_257 = arith.constant 0x7F800000 : f32
      %broadcast_in_dim3A_258 = vector.broadcast %broadcast_in_dim3A_257 : f32 to vector<16xf32>
      %swap3A_259 = arith.constant 256 : index
      %swap3A_260 = tpu.vector_load %arg7[%swap3A_259] {strides = array<i32>} : memref<6272xf32, #tpu.memory_space<vmem>>, vector<16xf32>,
      tpu.vector_store %arg7[%swap3A_259], %broadcast_in_dim3A_258 {strides = array<i32>} : memref<6272xf32, #tpu.memory_space<vmem>>, vector<16xf32>,
      %broadcast_in_dim3A_261 = arith.constant 0x7F800000 : f32
      %broadcast_in_dim3A_262 = vector.broadcast %broadcast_in_dim3A_261 : f32 to vector<16xf32>
      %swap3A_263 = arith.constant 272 : index
      %swap3A_264 = tpu.vector_load %arg7[%swap3A_263] {strides = array<i32>} : memref<6272xf32, #tpu.memory_space<vmem>>, vector<16xf32>,
      tpu.vector_store %arg7[%swap3A_263], %broadcast_in_dim3A_262 {strides = array<i32>} : memref<6272xf32, #tpu.memory_space<vmem>>, vector<16xf32>,
      %broadcast_in_dim3A_265 = arith.constant 0x7F800000 : f32
      %broadcast_in_dim3A_266 = vector.broadcast %broadcast_in_dim3A_265 : f32 to vector<16xf32>
      %swap3A_267 = arith.constant 288 : index
      %swap3A_268 = tpu.vector_load %arg7[%swap3A_267] {strides = array<i32>} : memref<6272xf32, #tpu.memory_space<vmem>>, vector<16xf32>,
      tpu.vector_store %arg7[%swap3A_267], %broadcast_in_dim3A_266 {strides = array<i32>} : memref<6272xf32, #tpu.memory_space<vmem>>, vector<16xf32>,
      %broadcast_in_dim3A_269 = arith.constant 0x7F800000 : f32
      %broadcast_in_dim3A_270 = vector.broadcast %broadcast_in_dim3A_269 : f32 to vector<16xf32>
      %swap3A_271 = arith.constant 304 : index
      %swap3A_272 = tpu.vector_load %arg7[%swap3A_271] {strides = array<i32>} : memref<6272xf32, #tpu.memory_space<vmem>>, vector<16xf32>,
      tpu.vector_store %arg7[%swap3A_271], %broadcast_in_dim3A_270 {strides = array<i32>} : memref<6272xf32, #tpu.memory_space<vmem>>, vector<16xf32>,
      %broadcast_in_dim3A_273 = arith.constant 0x7F800000 : f32
      %broadcast_in_dim3A_274 = vector.broadcast %broadcast_in_dim3A_273 : f32 to vector<16xf32>
      %swap3A_275 = arith.constant 320 : index
      %swap3A_276 = tpu.vector_load %arg7[%swap3A_275] {strides = array<i32>} : memref<6272xf32, #tpu.memory_space<vmem>>, vector<16xf32>,
      tpu.vector_store %arg7[%swap3A_275], %broadcast_in_dim3A_274 {strides = array<i32>} : memref<6272xf32, #tpu.memory_space<vmem>>, vector<16xf32>,
      %broadcast_in_dim3A_277 = arith.constant 0x7F800000 : f32
      %broadcast_in_dim3A_278 = vector.broadcast %broadcast_in_dim3A_277 : f32 to vector<16xf32>
      %swap3A_279 = arith.constant 336 : index
      %swap3A_280 = tpu.vector_load %arg7[%swap3A_279] {strides = array<i32>} : memref<6272xf32, #tpu.memory_space<vmem>>, vector<16xf32>,
      tpu.vector_store %arg7[%swap3A_279], %broadcast_in_dim3A_278 {strides = array<i32>} : memref<6272xf32, #tpu.memory_space<vmem>>, vector<16xf32>,
    } else {
    }
    %get3A = arith.constant 0 : index
    %get3A_89 = tpu.vector_load %arg8[%get3A] {strides = array<i32>} : memref<6288xi32, #tpu.memory_space<vmem>>, vector<16xi32>,
    %reduce_min3A = arith.constant true
    %reduce_min3A_90 = vector.broadcast %reduce_min3A : i1 to vector<16xi1>
    %reduce_min3A_91 = arith.constant -2147483648 : i32
    %reduce_min3A_92 = vector.broadcast %reduce_min3A_91 : i32 to vector<16xi32>
    %reduce_min3A_93 = arith.xori %get3A_89, %reduce_min3A_92 : vector<16xi32>
    %reduce_min3A_94 = tpu.scan <min>, %reduce_min3A_93 masked %reduce_min3A_90 : vector<16xi32>, vector<16xi1> -> vector<16xi32>
    %reduce_min3A_95 = arith.xori %reduce_min3A_94, %reduce_min3A_92 : vector<16xi32>
    %reduce_min3A_96 = vector.extract %reduce_min3A_95[15] : i32 from vector<16xi32>
    %get3A_97 = arith.constant 6256 : index
    %get3A_98 = tpu.vector_load %arg8[%get3A_97] {strides = array<i32>} : memref<6288xi32, #tpu.memory_space<vmem>>, vector<16xi32>,
    %reduce_max3A = arith.constant true
    %reduce_max3A_99 = vector.broadcast %reduce_max3A : i1 to vector<16xi1>
    %reduce_max3A_100 = arith.constant -2147483648 : i32
    %reduce_max3A_101 = vector.broadcast %reduce_max3A_100 : i32 to vector<16xi32>
    %reduce_max3A_102 = arith.xori %get3A_98, %reduce_max3A_101 : vector<16xi32>
    %reduce_max3A_103 = tpu.scan <max>, %reduce_max3A_102 masked %reduce_max3A_99 : vector<16xi32>, vector<16xi1> -> vector<16xi32>
    %reduce_max3A_104 = arith.xori %reduce_max3A_103, %reduce_max3A_101 : vector<16xi32>
    %reduce_max3A_105 = vector.extract %reduce_max3A_104[15] : i32 from vector<16xi32>
    %jit3A_106 = arith.constant 128 : i32
    %div3A_107 = arith.divsi %reduce_min3A_96, %jit3A_106 : i32
    %sign3A_108 = arith.constant 0 : i32
    %sign3A_109 = arith.cmpi sgt, %reduce_min3A_96, %sign3A_108 : i32
    %sign3A_110 = arith.extui %sign3A_109 : i1 to i32
    %sign3A_111 = arith.constant 0 : i32
    %sign3A_112 = arith.cmpi slt, %reduce_min3A_96, %sign3A_111 : i32
    %sign3A_113 = arith.extui %sign3A_112 : i1 to i32
    %sign3A_114 = arith.subi %sign3A_110, %sign3A_113 : i32
    %sign3A_115 = arith.constant 0 : i32
    %sign3A_116 = arith.cmpi sgt, %jit3A_106, %sign3A_115 : i32
    %sign3A_117 = arith.extui %sign3A_116 : i1 to i32
    %sign3A_118 = arith.constant 0 : i32
    %sign3A_119 = arith.cmpi slt, %jit3A_106, %sign3A_118 : i32
    %sign3A_120 = arith.extui %sign3A_119 : i1 to i32
    %sign3A_121 = arith.subi %sign3A_117, %sign3A_120 : i32
    %ne3A_122 = arith.cmpi ne, %sign3A_114, %sign3A_121 : i32
    %rem3A_123 = arith.remsi %reduce_min3A_96, %jit3A_106 : i32
    %ne3A_124 = arith.constant 0 : i32
    %ne3A_125 = arith.cmpi ne, %rem3A_123, %ne3A_124 : i32
    %and3A_126 = arith.andi %ne3A_122, %ne3A_125 : i1
    %sub3A_127 = arith.constant 1 : i32
    %sub3A_128 = arith.subi %div3A_107, %sub3A_127 : i32
    %select_n3A_129 = arith.select %and3A_126, %sub3A_128, %div3A_107 : i32
    %jit3A_130 = arith.constant 128 : i32
    %div3A_131 = arith.divsi %reduce_max3A_105, %jit3A_130 : i32
    %sign3A_132 = arith.constant 0 : i32
    %sign3A_133 = arith.cmpi sgt, %reduce_max3A_105, %sign3A_132 : i32
    %sign3A_134 = arith.extui %sign3A_133 : i1 to i32
    %sign3A_135 = arith.constant 0 : i32
    %sign3A_136 = arith.cmpi slt, %reduce_max3A_105, %sign3A_135 : i32
    %sign3A_137 = arith.extui %sign3A_136 : i1 to i32
    %sign3A_138 = arith.subi %sign3A_134, %sign3A_137 : i32
    %sign3A_139 = arith.constant 0 : i32
    %sign3A_140 = arith.cmpi sgt, %jit3A_130, %sign3A_139 : i32
    %sign3A_141 = arith.extui %sign3A_140 : i1 to i32
    %sign3A_142 = arith.constant 0 : i32
    %sign3A_143 = arith.cmpi slt, %jit3A_130, %sign3A_142 : i32
    %sign3A_144 = arith.extui %sign3A_143 : i1 to i32
    %sign3A_145 = arith.subi %sign3A_141, %sign3A_144 : i32
    %ne3A_146 = arith.cmpi ne, %sign3A_138, %sign3A_145 : i32
    %rem3A_147 = arith.remsi %reduce_max3A_105, %jit3A_130 : i32
    %ne3A_148 = arith.constant 0 : i32
    %ne3A_149 = arith.cmpi ne, %rem3A_147, %ne3A_148 : i32
    %and3A_150 = arith.andi %ne3A_146, %ne3A_149 : i1
    %sub3A_151 = arith.constant 1 : i32
    %sub3A_152 = arith.subi %div3A_131, %sub3A_151 : i32
    %select_n3A_153 = arith.select %and3A_150, %sub3A_152, %div3A_131 : i32
    %sub3A_154 = arith.subi %select_n3A_153, %select_n3A_129 : i32
    %add3A = arith.constant 1 : i32
    %add3A_155 = arith.addi %sub3A_154, %add3A : i32
    %mul3A_156 = arith.constant 128 : i32
    %mul3A_157 = arith.muli %add3A_155, %mul3A_156 : i32
    %parallel_loop3A_158 = arith.constant 0 : i32
    %parallel_loop3A_159 = arith.constant 16 : i32
    scf.for %parallel_loop3A_193 = %parallel_loop3A_158 to %mul3A_157 step %parallel_loop3A_159  : i32 {
      %parallel_loop3A_194 = arith.constant 128 : i32
      %parallel_loop3A_195 = arith.muli %select_n3A_129, %parallel_loop3A_194 : i32
      %parallel_loop3A_196 = arith.addi %parallel_loop3A_195, %parallel_loop3A_193 : i32
      %parallel_loop3A_197 = arith.index_cast %parallel_loop3A_196 : i32 to index
      %parallel_loop3A_198 = tpu.vector_load %arg12[%parallel_loop3A_197] {strides = array<i32>} : memref<5120xf32, #tpu.memory_space<vmem>>, vector<16xf32>,
      tpu.vector_store %arg12[%parallel_loop3A_197], %broadcast_in_dim3A_11 {strides = array<i32>} : memref<5120xf32, #tpu.memory_space<vmem>>, vector<16xf32>,
      %parallel_loop3A_199 = arith.index_cast %parallel_loop3A_196 : i32 to index
      %parallel_loop3A_200 = tpu.vector_load %arg13[%parallel_loop3A_199] {strides = array<i32>} : memref<5120xf32, #tpu.memory_space<vmem>>, vector<16xf32>,
      tpu.vector_store %arg13[%parallel_loop3A_199], %broadcast_in_dim3A_11 {strides = array<i32>} : memref<5120xf32, #tpu.memory_space<vmem>>, vector<16xf32>,
    } {sc.loop_unroll_factor = 2 : i64, sc.parallel_access}
    %eq3A = arith.constant 15 : i32
    %eq3A_160 = vector.broadcast %eq3A : i32 to vector<16xi32>
    %eq3A_161 = arith.cmpi eq, %iota3A, %eq3A_160 : vector<16xi32>
    %parallel_loop3A_162 = arith.constant 0 : i32
    %parallel_loop3A_163 = arith.constant 6272 : i32
    %parallel_loop3A_164 = arith.constant 16 : i32
    scf.for %parallel_loop3A_193 = %parallel_loop3A_162 to %parallel_loop3A_163 step %parallel_loop3A_164  : i32 {
      %parallel_loop3A_194 = arith.index_cast %parallel_loop3A_193 : i32 to index
      %parallel_loop3A_195 = tpu.vector_load %arg8[%parallel_loop3A_194] {strides = array<i32>} : memref<6288xi32, #tpu.memory_space<vmem>>, vector<16xi32>,
      %parallel_loop3A_196 = arith.constant 1 : i32
      %parallel_loop3A_197 = arith.addi %parallel_loop3A_193, %parallel_loop3A_196 : i32
      %parallel_loop3A_198 = arith.index_cast %parallel_loop3A_197 : i32 to index
      %parallel_loop3A_199 = tpu.vector_load %arg8[%parallel_loop3A_198] {strides = array<i32>} : memref<6288xi32, #tpu.memory_space<vmem>>, vector<16xi32>,
      %parallel_loop3A_200 = arith.index_cast %parallel_loop3A_193 : i32 to index
      %parallel_loop3A_201 = tpu.vector_load %arg7[%parallel_loop3A_200] {strides = array<i32>} : memref<6272xf32, #tpu.memory_space<vmem>>, vector<16xf32>,
      %parallel_loop3A_202 = arith.constant 1.000000e+00 : f32
      %parallel_loop3A_203 = vector.broadcast %parallel_loop3A_202 : f32 to vector<16xf32>
      %parallel_loop3A_204 = arith.divf %parallel_loop3A_203, %parallel_loop3A_201 : vector<16xf32>
      %parallel_loop3A_205 = arith.index_cast %parallel_loop3A_193 : i32 to index
      %parallel_loop3A_206 = tpu.vector_load %arg6[%parallel_loop3A_205] {strides = array<i32>} : memref<6272xf32, #tpu.memory_space<vmem>>, vector<16xf32>,
      %parallel_loop3A_207 = arith.mulf %parallel_loop3A_206, %parallel_loop3A_204 : vector<16xf32>
      %parallel_loop3A_208 = arith.constant true
      %parallel_loop3A_209 = vector.broadcast %parallel_loop3A_208 : i1 to vector<16xi1>
      %parallel_loop3A_210 = tpu.scan <sum>, %parallel_loop3A_204 masked %parallel_loop3A_209 : vector<16xf32>, vector<16xi1> -> vector<16xf32>
      %parallel_loop3A_211 = arith.constant true
      %parallel_loop3A_212 = vector.broadcast %parallel_loop3A_211 : i1 to vector<16xi1>
      %parallel_loop3A_213 = tpu.scan <sum>, %parallel_loop3A_207 masked %parallel_loop3A_212 : vector<16xf32>, vector<16xi1> -> vector<16xf32>
      %parallel_loop3A_214 = arith.cmpi ne, %parallel_loop3A_195, %parallel_loop3A_199 : vector<16xi32>
      %parallel_loop3A_215 = arith.ori %parallel_loop3A_214, %eq3A_161 : vector<16xi1>
      %parallel_loop3A_216 = arith.constant dense<true> : vector<16xi1>
      %parallel_loop3A_217 = arith.xori %eq3A_161, %parallel_loop3A_216 : vector<16xi1>
      %parallel_loop3A_218 = arith.andi %parallel_loop3A_214, %parallel_loop3A_217 : vector<16xi1>
      tpu.vector_store_idx %arg12[%parallel_loop3A_195], %parallel_loop3A_210 masked %parallel_loop3A_215 {add = true} : memref<5120xf32, #tpu.memory_space<vmem>>[vector<16xi32>], vector<16xf32>, vector<16xi1>
      tpu.vector_store_idx %arg13[%parallel_loop3A_195], %parallel_loop3A_213 masked %parallel_loop3A_215 {add = true} : memref<5120xf32, #tpu.memory_space<vmem>>[vector<16xi32>], vector<16xf32>, vector<16xi1>
      %parallel_loop3A_219 = arith.constant 0.000000e+00 : f32
      %parallel_loop3A_220 = vector.broadcast %parallel_loop3A_219 : f32 to vector<16xf32>
      %parallel_loop3A_221 = arith.subf %parallel_loop3A_220, %parallel_loop3A_210 : vector<16xf32>
      tpu.vector_store_idx %arg12[%parallel_loop3A_199], %parallel_loop3A_221 masked %parallel_loop3A_218 {add = true} : memref<5120xf32, #tpu.memory_space<vmem>>[vector<16xi32>], vector<16xf32>, vector<16xi1>
      %parallel_loop3A_222 = arith.constant 0.000000e+00 : f32
      %parallel_loop3A_223 = vector.broadcast %parallel_loop3A_222 : f32 to vector<16xf32>
      %parallel_loop3A_224 = arith.subf %parallel_loop3A_223, %parallel_loop3A_213 : vector<16xf32>
      tpu.vector_store_idx %arg13[%parallel_loop3A_199], %parallel_loop3A_224 masked %parallel_loop3A_218 {add = true} : memref<5120xf32, #tpu.memory_space<vmem>>[vector<16xi32>], vector<16xf32>, vector<16xi1>
    } {sc.loop_unroll_factor = 8 : i64, sc.parallel_access}
    %gt3A_165 = arith.constant 0 : i32
    %gt3A_166 = arith.cmpi sgt, %select_n3A, %gt3A_165 : i32
    %convert_element_type3A_167 = arith.extui %gt3A_166 : i1 to i32
    %cond3A_168 = arith.constant 0 : i32
    %cond3A_169 = arith.cmpi ne, %convert_element_type3A_167, %cond3A_168 : i32
    scf.if %cond3A_169 {
      "tpu.region"() ({
        %run_scoped3A = tpu.sem_alloc : memref<!tpu.dma_semaphore, #tpu.memory_space<semaphore_mem>>
        %dma_start3A_193 = arith.constant 0 : i32
        %dma_start3A_194 = tpu.memref_slice %arg7[%dma_start3A_193] : memref<6272xf32, #tpu.memory_space<vmem>> -> memref<352xf32, #tpu.memory_space<vmem>>
        %dma_start3A_195 = tpu.memref_slice %arg3[%min3A_1] : memref<100000xf32, #tpu.memory_space<hbm>> -> memref<352xf32, #tpu.memory_space<hbm>>
        %dma_start3A_196 = arith.constant 0 : i32
        %dma_start3A_197 = tpu.memref_slice %arg7[%dma_start3A_196] : memref<6272xf32, #tpu.memory_space<vmem>> -> memref<352xf32, #tpu.memory_space<vmem>>
        %dma_start3A_198 = tpu.memref_slice %arg3[%min3A_1] : memref<100000xf32, #tpu.memory_space<hbm>> -> memref<352xf32, #tpu.memory_space<hbm>>
        tpu.enqueue_dma source(%dma_start3A_198 : memref<352xf32, #tpu.memory_space<hbm>>) target(%dma_start3A_197 : memref<352xf32, #tpu.memory_space<vmem>>) target_semaphore(%run_scoped3A : memref<!tpu.dma_semaphore, #tpu.memory_space<semaphore_mem>>)
        %dma_wait3A_199 = arith.constant 0 : i32
        %dma_wait3A_200 = tpu.memref_slice %arg7[%dma_wait3A_199] : memref<6272xf32, #tpu.memory_space<vmem>> -> memref<352xf32, #tpu.memory_space<vmem>>
        %dma_wait3A_201 = tpu.memref_slice %arg3[%min3A_1] : memref<100000xf32, #tpu.memory_space<hbm>> -> memref<352xf32, #tpu.memory_space<hbm>>
        %dma_wait3A_202 = arith.constant 0 : i32
        %dma_wait3A_203 = tpu.memref_slice %arg7[%dma_wait3A_202] : memref<6272xf32, #tpu.memory_space<vmem>> -> memref<352xf32, #tpu.memory_space<vmem>>
        %dma_wait3A_204 = tpu.memref_slice %arg3[%min3A_1] : memref<100000xf32, #tpu.memory_space<hbm>> -> memref<352xf32, #tpu.memory_space<hbm>>
        tpu.wait_dma2 semaphore(%run_scoped3A : memref<!tpu.dma_semaphore, #tpu.memory_space<semaphore_mem>>) src(%dma_wait3A_204 : memref<352xf32, #tpu.memory_space<hbm>>) dst(%dma_wait3A_203 : memref<352xf32, #tpu.memory_space<vmem>>)
        tpu.yield
      }) : () -> ()
    } else {
    }
    %while3A = arith.constant 0 : i32
    %while3A_170 = arith.constant 0 : i32
    %while3A_171 = arith.subi %add3A_155, %while3A_170 : i32
    %while3A_172 = arith.addi %while3A_170, %while3A_171 : i32
    %while3A_173 = arith.constant 1 : i32
    %while3A_174 = arith.divsi %while3A_171, %while3A_173 : i32
    %while3A_175 = arith.muli %while3A_174, %while3A_173 : i32
    %while3A_176 = arith.addi %while3A_170, %while3A_175 : i32
    %while3A_177 = arith.constant 1 : i32
    scf.for %while3A_193 = %while3A_170 to %while3A_176 step %while3A_177  : i32 {
      %add3A_194 = arith.addi %select_n3A_129, %while3A_193 : i32
      %mul3A_195 = arith.constant 128 : i32
      %mul3A_196 = arith.muli %add3A_194, %mul3A_195 : i32
      %dma_start3A_197 = tpu.memref_slice %arg12[%mul3A_196] : memref<5120xf32, #tpu.memory_space<vmem>> -> memref<128xf32, #tpu.memory_space<vmem>>
      %dma_start3A_198 = tpu.memref_slice %arg10[%mul3A_196] : memref<5120xi32, #tpu.memory_space<vmem>> -> memref<128xi32, #tpu.memory_space<vmem>>
      %dma_start3A_199 = arith.constant 0 : i32
      %dma_start3A_200 = tpu.memref_slice %arg14[%dma_start3A_199] : memref<5120xf32, #tpu.memory_space<vmem_shared>> -> memref<5120xf32, #tpu.memory_space<vmem_shared>>
      tpu.enqueue_indirect_dma source(%dma_start3A_197 : memref<128xf32, #tpu.memory_space<vmem>>) target(%dma_start3A_200 : memref<5120xf32, #tpu.memory_space<vmem_shared>>) offsets(%dma_start3A_198 : memref<128xi32, #tpu.memory_space<vmem>>) semaphore(%arg17 : memref<!tpu.dma_semaphore, #tpu.memory_space<semaphore_mem>>) {add = true}
      %dma_start3A_201 = tpu.memref_slice %arg13[%mul3A_196] : memref<5120xf32, #tpu.memory_space<vmem>> -> memref<128xf32, #tpu.memory_space<vmem>>
      %dma_start3A_202 = tpu.memref_slice %arg10[%mul3A_196] : memref<5120xi32, #tpu.memory_space<vmem>> -> memref<128xi32, #tpu.memory_space<vmem>>
      %dma_start3A_203 = arith.constant 0 : i32
      %dma_start3A_204 = tpu.memref_slice %arg15[%dma_start3A_203] : memref<5120xf32, #tpu.memory_space<vmem_shared>> -> memref<5120xf32, #tpu.memory_space<vmem_shared>>
      tpu.enqueue_indirect_dma source(%dma_start3A_201 : memref<128xf32, #tpu.memory_space<vmem>>) target(%dma_start3A_204 : memref<5120xf32, #tpu.memory_space<vmem_shared>>) offsets(%dma_start3A_202 : memref<128xi32, #tpu.memory_space<vmem>>) semaphore(%arg17 : memref<!tpu.dma_semaphore, #tpu.memory_space<semaphore_mem>>) {add = true}
      %dma_wait3A_205 = tpu.memref_slice %arg12[%mul3A_196] : memref<5120xf32, #tpu.memory_space<vmem>> -> memref<128xf32, #tpu.memory_space<vmem>>
      %dma_wait3A_206 = tpu.memref_slice %arg10[%mul3A_196] : memref<5120xi32, #tpu.memory_space<vmem>> -> memref<128xi32, #tpu.memory_space<vmem>>
      %dma_wait3A_207 = arith.constant 0 : i32
      %dma_wait3A_208 = tpu.memref_slice %arg14[%dma_wait3A_207] : memref<5120xf32, #tpu.memory_space<vmem_shared>> -> memref<5120xf32, #tpu.memory_space<vmem_shared>>
      tpu.wait_indirect_dma semaphore(%arg17 : memref<!tpu.dma_semaphore, #tpu.memory_space<semaphore_mem>>) src(%dma_wait3A_205 : memref<128xf32, #tpu.memory_space<vmem>>) dst(%dma_wait3A_208 : memref<5120xf32, #tpu.memory_space<vmem_shared>>)
      %dma_wait3A_209 = tpu.memref_slice %arg13[%mul3A_196] : memref<5120xf32, #tpu.memory_space<vmem>> -> memref<128xf32, #tpu.memory_space<vmem>>
      %dma_wait3A_210 = tpu.memref_slice %arg10[%mul3A_196] : memref<5120xi32, #tpu.memory_space<vmem>> -> memref<128xi32, #tpu.memory_space<vmem>>
      %dma_wait3A_211 = arith.constant 0 : i32
      %dma_wait3A_212 = tpu.memref_slice %arg15[%dma_wait3A_211] : memref<5120xf32, #tpu.memory_space<vmem_shared>> -> memref<5120xf32, #tpu.memory_space<vmem_shared>>
      tpu.wait_indirect_dma semaphore(%arg17 : memref<!tpu.dma_semaphore, #tpu.memory_space<semaphore_mem>>) src(%dma_wait3A_209 : memref<128xf32, #tpu.memory_space<vmem>>) dst(%dma_wait3A_212 : memref<5120xf32, #tpu.memory_space<vmem_shared>>)
    }
    %while3A_178 = arith.constant 1 : i32
    scf.for %while3A_193 = %while3A_176 to %while3A_172 step %while3A_178  : i32 {
      %add3A_194 = arith.addi %select_n3A_129, %while3A_193 : i32
      %mul3A_195 = arith.constant 128 : i32
      %mul3A_196 = arith.muli %add3A_194, %mul3A_195 : i32
      %dma_start3A_197 = tpu.memref_slice %arg12[%mul3A_196] : memref<5120xf32, #tpu.memory_space<vmem>> -> memref<128xf32, #tpu.memory_space<vmem>>
      %dma_start3A_198 = tpu.memref_slice %arg10[%mul3A_196] : memref<5120xi32, #tpu.memory_space<vmem>> -> memref<128xi32, #tpu.memory_space<vmem>>
      %dma_start3A_199 = arith.constant 0 : i32
      %dma_start3A_200 = tpu.memref_slice %arg14[%dma_start3A_199] : memref<5120xf32, #tpu.memory_space<vmem_shared>> -> memref<5120xf32, #tpu.memory_space<vmem_shared>>
      tpu.enqueue_indirect_dma source(%dma_start3A_197 : memref<128xf32, #tpu.memory_space<vmem>>) target(%dma_start3A_200 : memref<5120xf32, #tpu.memory_space<vmem_shared>>) offsets(%dma_start3A_198 : memref<128xi32, #tpu.memory_space<vmem>>) semaphore(%arg17 : memref<!tpu.dma_semaphore, #tpu.memory_space<semaphore_mem>>) {add = true}
      %dma_start3A_201 = tpu.memref_slice %arg13[%mul3A_196] : memref<5120xf32, #tpu.memory_space<vmem>> -> memref<128xf32, #tpu.memory_space<vmem>>
      %dma_start3A_202 = tpu.memref_slice %arg10[%mul3A_196] : memref<5120xi32, #tpu.memory_space<vmem>> -> memref<128xi32, #tpu.memory_space<vmem>>
      %dma_start3A_203 = arith.constant 0 : i32
      %dma_start3A_204 = tpu.memref_slice %arg15[%dma_start3A_203] : memref<5120xf32, #tpu.memory_space<vmem_shared>> -> memref<5120xf32, #tpu.memory_space<vmem_shared>>
      tpu.enqueue_indirect_dma source(%dma_start3A_201 : memref<128xf32, #tpu.memory_space<vmem>>) target(%dma_start3A_204 : memref<5120xf32, #tpu.memory_space<vmem_shared>>) offsets(%dma_start3A_202 : memref<128xi32, #tpu.memory_space<vmem>>) semaphore(%arg17 : memref<!tpu.dma_semaphore, #tpu.memory_space<semaphore_mem>>) {add = true}
      %dma_wait3A_205 = tpu.memref_slice %arg12[%mul3A_196] : memref<5120xf32, #tpu.memory_space<vmem>> -> memref<128xf32, #tpu.memory_space<vmem>>
      %dma_wait3A_206 = tpu.memref_slice %arg10[%mul3A_196] : memref<5120xi32, #tpu.memory_space<vmem>> -> memref<128xi32, #tpu.memory_space<vmem>>
      %dma_wait3A_207 = arith.constant 0 : i32
      %dma_wait3A_208 = tpu.memref_slice %arg14[%dma_wait3A_207] : memref<5120xf32, #tpu.memory_space<vmem_shared>> -> memref<5120xf32, #tpu.memory_space<vmem_shared>>
      tpu.wait_indirect_dma semaphore(%arg17 : memref<!tpu.dma_semaphore, #tpu.memory_space<semaphore_mem>>) src(%dma_wait3A_205 : memref<128xf32, #tpu.memory_space<vmem>>) dst(%dma_wait3A_208 : memref<5120xf32, #tpu.memory_space<vmem_shared>>)
      %dma_wait3A_209 = tpu.memref_slice %arg13[%mul3A_196] : memref<5120xf32, #tpu.memory_space<vmem>> -> memref<128xf32, #tpu.memory_space<vmem>>
      %dma_wait3A_210 = tpu.memref_slice %arg10[%mul3A_196] : memref<5120xi32, #tpu.memory_space<vmem>> -> memref<128xi32, #tpu.memory_space<vmem>>
      %dma_wait3A_211 = arith.constant 0 : i32
      %dma_wait3A_212 = tpu.memref_slice %arg15[%dma_wait3A_211] : memref<5120xf32, #tpu.memory_space<vmem_shared>> -> memref<5120xf32, #tpu.memory_space<vmem_shared>>
      tpu.wait_indirect_dma semaphore(%arg17 : memref<!tpu.dma_semaphore, #tpu.memory_space<semaphore_mem>>) src(%dma_wait3A_209 : memref<128xf32, #tpu.memory_space<vmem>>) dst(%dma_wait3A_212 : memref<5120xf32, #tpu.memory_space<vmem_shared>>)
    }
    %barrier3A_179 = arith.constant 0 : index
    tpu.barrier barrier_id(%barrier3A_179)
    %while3A_180 = arith.constant 0 : i32
    %while3A_181 = arith.constant 0 : i32
    %while3A_182 = arith.subi %add3A_155, %while3A_181 : i32
    %while3A_183 = arith.addi %while3A_181, %while3A_182 : i32
    %while3A_184 = arith.constant 1 : i32
    %while3A_185 = arith.divsi %while3A_182, %while3A_184 : i32
    %while3A_186 = arith.muli %while3A_185, %while3A_184 : i32
    %while3A_187 = arith.addi %while3A_181, %while3A_186 : i32
    %while3A_188 = arith.constant 1 : i32
    scf.for %while3A_193 = %while3A_181 to %while3A_187 step %while3A_188  : i32 {
      %add3A_194 = arith.addi %select_n3A_129, %while3A_193 : i32
      %mul3A_195 = arith.constant 128 : i32
      %mul3A_196 = arith.muli %add3A_194, %mul3A_195 : i32
      %dma_start3A_197 = tpu.memref_slice %arg12[%mul3A_196] : memref<5120xf32, #tpu.memory_space<vmem>> -> memref<128xf32, #tpu.memory_space<vmem>>
      %dma_start3A_198 = tpu.memref_slice %arg14[%mul3A_196] : memref<5120xf32, #tpu.memory_space<vmem_shared>> -> memref<128xf32, #tpu.memory_space<vmem_shared>>
      %dma_start3A_199 = tpu.memref_slice %arg12[%mul3A_196] : memref<5120xf32, #tpu.memory_space<vmem>> -> memref<128xf32, #tpu.memory_space<vmem>>
      %dma_start3A_200 = tpu.memref_slice %arg14[%mul3A_196] : memref<5120xf32, #tpu.memory_space<vmem_shared>> -> memref<128xf32, #tpu.memory_space<vmem_shared>>
      tpu.enqueue_dma source(%dma_start3A_200 : memref<128xf32, #tpu.memory_space<vmem_shared>>) target(%dma_start3A_199 : memref<128xf32, #tpu.memory_space<vmem>>) target_semaphore(%arg16 : memref<!tpu.dma_semaphore, #tpu.memory_space<semaphore_mem>>)
      %dma_start3A_201 = tpu.memref_slice %arg13[%mul3A_196] : memref<5120xf32, #tpu.memory_space<vmem>> -> memref<128xf32, #tpu.memory_space<vmem>>
      %dma_start3A_202 = tpu.memref_slice %arg15[%mul3A_196] : memref<5120xf32, #tpu.memory_space<vmem_shared>> -> memref<128xf32, #tpu.memory_space<vmem_shared>>
      %dma_start3A_203 = tpu.memref_slice %arg13[%mul3A_196] : memref<5120xf32, #tpu.memory_space<vmem>> -> memref<128xf32, #tpu.memory_space<vmem>>
      %dma_start3A_204 = tpu.memref_slice %arg15[%mul3A_196] : memref<5120xf32, #tpu.memory_space<vmem_shared>> -> memref<128xf32, #tpu.memory_space<vmem_shared>>
      tpu.enqueue_dma source(%dma_start3A_204 : memref<128xf32, #tpu.memory_space<vmem_shared>>) target(%dma_start3A_203 : memref<128xf32, #tpu.memory_space<vmem>>) target_semaphore(%arg16 : memref<!tpu.dma_semaphore, #tpu.memory_space<semaphore_mem>>)
      %dma_wait3A_205 = tpu.memref_slice %arg12[%mul3A_196] : memref<5120xf32, #tpu.memory_space<vmem>> -> memref<128xf32, #tpu.memory_space<vmem>>
      %dma_wait3A_206 = tpu.memref_slice %arg14[%mul3A_196] : memref<5120xf32, #tpu.memory_space<vmem_shared>> -> memref<128xf32, #tpu.memory_space<vmem_shared>>
      %dma_wait3A_207 = tpu.memref_slice %arg12[%mul3A_196] : memref<5120xf32, #tpu.memory_space<vmem>> -> memref<128xf32, #tpu.memory_space<vmem>>
      %dma_wait3A_208 = tpu.memref_slice %arg14[%mul3A_196] : memref<5120xf32, #tpu.memory_space<vmem_shared>> -> memref<128xf32, #tpu.memory_space<vmem_shared>>
      tpu.wait_dma2 semaphore(%arg16 : memref<!tpu.dma_semaphore, #tpu.memory_space<semaphore_mem>>) src(%dma_wait3A_208 : memref<128xf32, #tpu.memory_space<vmem_shared>>) dst(%dma_wait3A_207 : memref<128xf32, #tpu.memory_space<vmem>>)
      %dma_wait3A_209 = tpu.memref_slice %arg13[%mul3A_196] : memref<5120xf32, #tpu.memory_space<vmem>> -> memref<128xf32, #tpu.memory_space<vmem>>
      %dma_wait3A_210 = tpu.memref_slice %arg15[%mul3A_196] : memref<5120xf32, #tpu.memory_space<vmem_shared>> -> memref<128xf32, #tpu.memory_space<vmem_shared>>
      %dma_wait3A_211 = tpu.memref_slice %arg13[%mul3A_196] : memref<5120xf32, #tpu.memory_space<vmem>> -> memref<128xf32, #tpu.memory_space<vmem>>
      %dma_wait3A_212 = tpu.memref_slice %arg15[%mul3A_196] : memref<5120xf32, #tpu.memory_space<vmem_shared>> -> memref<128xf32, #tpu.memory_space<vmem_shared>>
      tpu.wait_dma2 semaphore(%arg16 : memref<!tpu.dma_semaphore, #tpu.memory_space<semaphore_mem>>) src(%dma_wait3A_212 : memref<128xf32, #tpu.memory_space<vmem_shared>>) dst(%dma_wait3A_211 : memref<128xf32, #tpu.memory_space<vmem>>)
    }
    %while3A_189 = arith.constant 1 : i32
    scf.for %while3A_193 = %while3A_187 to %while3A_183 step %while3A_189  : i32 {
      %add3A_194 = arith.addi %select_n3A_129, %while3A_193 : i32
      %mul3A_195 = arith.constant 128 : i32
      %mul3A_196 = arith.muli %add3A_194, %mul3A_195 : i32
      %dma_start3A_197 = tpu.memref_slice %arg12[%mul3A_196] : memref<5120xf32, #tpu.memory_space<vmem>> -> memref<128xf32, #tpu.memory_space<vmem>>
      %dma_start3A_198 = tpu.memref_slice %arg14[%mul3A_196] : memref<5120xf32, #tpu.memory_space<vmem_shared>> -> memref<128xf32, #tpu.memory_space<vmem_shared>>
      %dma_start3A_199 = tpu.memref_slice %arg12[%mul3A_196] : memref<5120xf32, #tpu.memory_space<vmem>> -> memref<128xf32, #tpu.memory_space<vmem>>
      %dma_start3A_200 = tpu.memref_slice %arg14[%mul3A_196] : memref<5120xf32, #tpu.memory_space<vmem_shared>> -> memref<128xf32, #tpu.memory_space<vmem_shared>>
      tpu.enqueue_dma source(%dma_start3A_200 : memref<128xf32, #tpu.memory_space<vmem_shared>>) target(%dma_start3A_199 : memref<128xf32, #tpu.memory_space<vmem>>) target_semaphore(%arg16 : memref<!tpu.dma_semaphore, #tpu.memory_space<semaphore_mem>>)
      %dma_start3A_201 = tpu.memref_slice %arg13[%mul3A_196] : memref<5120xf32, #tpu.memory_space<vmem>> -> memref<128xf32, #tpu.memory_space<vmem>>
      %dma_start3A_202 = tpu.memref_slice %arg15[%mul3A_196] : memref<5120xf32, #tpu.memory_space<vmem_shared>> -> memref<128xf32, #tpu.memory_space<vmem_shared>>
      %dma_start3A_203 = tpu.memref_slice %arg13[%mul3A_196] : memref<5120xf32, #tpu.memory_space<vmem>> -> memref<128xf32, #tpu.memory_space<vmem>>
      %dma_start3A_204 = tpu.memref_slice %arg15[%mul3A_196] : memref<5120xf32, #tpu.memory_space<vmem_shared>> -> memref<128xf32, #tpu.memory_space<vmem_shared>>
      tpu.enqueue_dma source(%dma_start3A_204 : memref<128xf32, #tpu.memory_space<vmem_shared>>) target(%dma_start3A_203 : memref<128xf32, #tpu.memory_space<vmem>>) target_semaphore(%arg16 : memref<!tpu.dma_semaphore, #tpu.memory_space<semaphore_mem>>)
      %dma_wait3A_205 = tpu.memref_slice %arg12[%mul3A_196] : memref<5120xf32, #tpu.memory_space<vmem>> -> memref<128xf32, #tpu.memory_space<vmem>>
      %dma_wait3A_206 = tpu.memref_slice %arg14[%mul3A_196] : memref<5120xf32, #tpu.memory_space<vmem_shared>> -> memref<128xf32, #tpu.memory_space<vmem_shared>>
      %dma_wait3A_207 = tpu.memref_slice %arg12[%mul3A_196] : memref<5120xf32, #tpu.memory_space<vmem>> -> memref<128xf32, #tpu.memory_space<vmem>>
      %dma_wait3A_208 = tpu.memref_slice %arg14[%mul3A_196] : memref<5120xf32, #tpu.memory_space<vmem_shared>> -> memref<128xf32, #tpu.memory_space<vmem_shared>>
      tpu.wait_dma2 semaphore(%arg16 : memref<!tpu.dma_semaphore, #tpu.memory_space<semaphore_mem>>) src(%dma_wait3A_208 : memref<128xf32, #tpu.memory_space<vmem_shared>>) dst(%dma_wait3A_207 : memref<128xf32, #tpu.memory_space<vmem>>)
      %dma_wait3A_209 = tpu.memref_slice %arg13[%mul3A_196] : memref<5120xf32, #tpu.memory_space<vmem>> -> memref<128xf32, #tpu.memory_space<vmem>>
      %dma_wait3A_210 = tpu.memref_slice %arg15[%mul3A_196] : memref<5120xf32, #tpu.memory_space<vmem_shared>> -> memref<128xf32, #tpu.memory_space<vmem_shared>>
      %dma_wait3A_211 = tpu.memref_slice %arg13[%mul3A_196] : memref<5120xf32, #tpu.memory_space<vmem>> -> memref<128xf32, #tpu.memory_space<vmem>>
      %dma_wait3A_212 = tpu.memref_slice %arg15[%mul3A_196] : memref<5120xf32, #tpu.memory_space<vmem_shared>> -> memref<128xf32, #tpu.memory_space<vmem_shared>>
      tpu.wait_dma2 semaphore(%arg16 : memref<!tpu.dma_semaphore, #tpu.memory_space<semaphore_mem>>) src(%dma_wait3A_212 : memref<128xf32, #tpu.memory_space<vmem_shared>>) dst(%dma_wait3A_211 : memref<128xf32, #tpu.memory_space<vmem>>)
    }
    %parallel_loop3A_190 = arith.constant 0 : i32
    %parallel_loop3A_191 = arith.constant 6272 : i32
    %parallel_loop3A_192 = arith.constant 16 : i32
    scf.for %parallel_loop3A_193 = %parallel_loop3A_190 to %parallel_loop3A_191 step %parallel_loop3A_192  : i32 {
      %parallel_loop3A_194 = arith.index_cast %parallel_loop3A_193 : i32 to index
      %parallel_loop3A_195 = tpu.vector_load %arg8[%parallel_loop3A_194] {strides = array<i32>} : memref<6288xi32, #tpu.memory_space<vmem>>, vector<16xi32>,
      %parallel_loop3A_196 = tpu.vector_load_idx %arg12[%parallel_loop3A_195] : memref<5120xf32, #tpu.memory_space<vmem>>[vector<16xi32>], vector<16xf32>,
      %parallel_loop3A_197 = tpu.vector_load_idx %arg13[%parallel_loop3A_195] : memref<5120xf32, #tpu.memory_space<vmem>>[vector<16xi32>], vector<16xf32>,
      %parallel_loop3A_198 = arith.index_cast %parallel_loop3A_193 : i32 to index
      %parallel_loop3A_199 = tpu.vector_load %arg7[%parallel_loop3A_198] {strides = array<i32>} : memref<6272xf32, #tpu.memory_space<vmem>>, vector<16xf32>,
      %parallel_loop3A_200 = arith.constant 1.000000e+00 : f32
      %parallel_loop3A_201 = vector.broadcast %parallel_loop3A_200 : f32 to vector<16xf32>
      %parallel_loop3A_202 = arith.divf %parallel_loop3A_201, %parallel_loop3A_199 : vector<16xf32>
      %parallel_loop3A_203 = arith.divf %parallel_loop3A_197, %parallel_loop3A_196 : vector<16xf32>
      %parallel_loop3A_204 = arith.mulf %parallel_loop3A_202, %parallel_loop3A_203 : vector<16xf32>
      %parallel_loop3A_205 = arith.index_cast %parallel_loop3A_193 : i32 to index
      %parallel_loop3A_206 = tpu.vector_load %arg6[%parallel_loop3A_205] {strides = array<i32>} : memref<6272xf32, #tpu.memory_space<vmem>>, vector<16xf32>,
      %parallel_loop3A_207 = arith.mulf %parallel_loop3A_206, %parallel_loop3A_202 : vector<16xf32>
      %parallel_loop3A_208 = arith.subf %parallel_loop3A_204, %parallel_loop3A_207 : vector<16xf32>
      %parallel_loop3A_209 = arith.index_cast %parallel_loop3A_193 : i32 to index
      %parallel_loop3A_210 = tpu.vector_load %arg11[%parallel_loop3A_209] {strides = array<i32>} : memref<6272xf32, #tpu.memory_space<vmem>>, vector<16xf32>,
      tpu.vector_store %arg11[%parallel_loop3A_209], %parallel_loop3A_208 {strides = array<i32>} : memref<6272xf32, #tpu.memory_space<vmem>>, vector<16xf32>,
    } {sc.loop_unroll_factor = 8 : i64, sc.parallel_access}
    "tpu.region"() ({
      %run_scoped3A = tpu.sem_alloc : memref<!tpu.dma_semaphore, #tpu.memory_space<semaphore_mem>>
      %dma_start3A_193 = tpu.memref_slice %arg5[%min3A_1] : memref<100000xf32, #tpu.memory_space<hbm>> -> memref<6272xf32, #tpu.memory_space<hbm>>
      %dma_start3A_194 = tpu.memref_slice %arg5[%min3A_1] : memref<100000xf32, #tpu.memory_space<hbm>> -> memref<6272xf32, #tpu.memory_space<hbm>>
      tpu.enqueue_dma source(%arg11 : memref<6272xf32, #tpu.memory_space<vmem>>) target(%dma_start3A_194 : memref<6272xf32, #tpu.memory_space<hbm>>) target_semaphore(%run_scoped3A : memref<!tpu.dma_semaphore, #tpu.memory_space<semaphore_mem>>)
      %dma_wait3A_195 = tpu.memref_slice %arg5[%min3A_1] : memref<100000xf32, #tpu.memory_space<hbm>> -> memref<6272xf32, #tpu.memory_space<hbm>>
      %dma_wait3A_196 = tpu.memref_slice %arg5[%min3A_1] : memref<100000xf32, #tpu.memory_space<hbm>> -> memref<6272xf32, #tpu.memory_space<hbm>>
      tpu.wait_dma2 semaphore(%run_scoped3A : memref<!tpu.dma_semaphore, #tpu.memory_space<semaphore_mem>>) src(%arg11 : memref<6272xf32, #tpu.memory_space<vmem>>) dst(%dma_wait3A_196 : memref<6272xf32, #tpu.memory_space<hbm>>)
      tpu.yield
    }) : () -> ()
    return
  }
}

</mosaic_0001>

<sc_bundles>
// kernel: kernel.3.cloned.1.call-start
scs
__scs_entry_jumppad:
0x0: {  	(pc) =	sbr.rel $0x88, $3  }
0x1: {  	(tag) =	ssettag $0x0;
	lr =	simm.s32 $0x1  }
0x2: {  	[smem:$0x3F9E] =	sst lr;
	_ =	strace $0xD0000000  }
0x3: {  	_ = 	snop  }
0x4: {  	_ = 	snop  }
0x5: {  	_ = 	snop  }
0x6: {  	_ = 	snop  }
0x7: {  	_ = 	snop  }
__scs_overlays_trampoline_lowered:
0x8: {  	[smem:$0x3FAD] =	sst s0  }
0x9: {  	[smem:$0x3FAE] =	sst s1  }
0xa: {  	[smem:$0x3FAF] =	sst s2  }
0xb: {  	[smem:$0x3FB0] =	sst s3  }
0xc: {  	[smem:$0x3FB1] =	sst s4  }
0xd: {  	[smem:$0x3FB2] =	sst s5  }
0xe: {  	[smem:$0x3FB3] =	sst s6  }
0xf: {  	[smem:$0x3FB4] =	sst s7  }
0x10: {  	[smem:$0x3FB5] =	sst s8  }
0x11: {  	[smem:$0x3FB6] =	sst s9;
	s0 =	simm.s32 @!p0 $0x0  }
0x12: {  	s1 =	sld [smem:$0x3F9C];
	s0 =	simm.s32 @p0 $0x1  }
0x13: {  	[smem:$0x3FB7] =	sst s0;
	s0 =	simm.s32 @!p1 $0x0  }
0x14: {  	s2 =	sld [smem:$0x3F9B];
	s0 =	simm.s32 @p1 $0x1  }
0x15: {  	[smem:$0x3FB8] =	sst s0;
	s0 =	simm.s32 @!p2 $0x0  }
0x16: {  	s3 =	sld [smem:$0x3FDB];
	s0 =	simm.s32 @p2 $0x1  }
0x17: {  	s4 =	simm.s32 $0x1BF5;
	[smem:$0x3FBA] =	sst s0  }
0x18: {  	s0 =	sld [smem:$0x3F9D];
	_ =	swait.ge [sflag:s4], $0x0  }
0x19: {  	s7 =	sld [smem:$0x3F9E]  }
0x1a: {  	s8 =	sadd.s32 $0xFFFFE003, lr  }
0x1b: {  	s9 =	sadd.s32 $0xFFFFFEF7, lr;
	s5 =	simm.s32 $0xFFFFFFFF;
	p2 =	slt.u32 s8, $0xFFFFF086  }
0x1c: {  	p1 =	slt.u32 s9, $0xF7A;
	s5 =	simm.s32 @!p2 $0x0  }
0x1d: {  	s5 =	simm.s32 @p1 $0x1;
	p0 =	seq.s32 s7, s2  }
0x1e: {  	s7 =	smul.u32 @!p0 $0xF7A, s2;
	p2 =	seq.s32 @!p0 s5, $0x0  }
0x1f: {  	s9 =	smul.u32 $0xF7A, s1;
	s8 =	simm.s32 @!p0 $0x1BF5;
	p2 =	por !p2, p0  }
0x20: {  	[sflag:s8] =	ssyncset.s32 @!p0 $0xFFFFF086;
	s6 =	sadd.s32 @!p0 s3, s7;
	s7 =	simm.s32 @!p0 $0x108  }
0x21: {  	s3 =	sadd.s32 s3, s9;
	s6 =	sadd.s32 @!p0 $0x88, s6;
	s7 =	simm.s32 @p2 $0x1082  }
0x22: {  	[simem:s7], [sflag:s8] =	dma.local @!p0 [hbm:s6], $0xF7A  }
0x23: {  	s9 =	sor.u32 $0xD0000000, s2;
	s6 =	simm.s32 $0x108;
	_ =	swait.ge @!p0 [sflag:s8], $0x0  }
0x24: {  	s3 =	sadd.s32 $0x88, s3;
	s6 =	simm.s32 @!p1 $0x1082;
	[sflag:s4] =	ssyncset.s32 $0xFFFFF086  }
0x25: {  	[simem:s6], [sflag:s4] =	dma.local [hbm:s3], $0xF7A  }
0x26: {  	[smem:$0x3F9E] =	sst s1;
	(tag) =	ssettag s2;
	_ =	strace s9  }
0x27: {  	s1 =	sld [smem:$0x3FAE]  }
0x28: {  	s2 =	sld [smem:$0x3FAF]  }
0x29: {  	s4 =	sld [smem:$0x3FB1]  }
0x2a: {  	p0 =	seq.s32 s5, $0x0;
	s5 =	sld [smem:$0x3FB2]  }
0x2b: {  	s6 =	sld [smem:$0x3FB3]  }
0x2c: {  	s7 =	sld [smem:$0x3FB4]  }
0x2d: {  	s3 =	simm.s32 $0x108;
	s8 =	sld [smem:$0x3FB5]  }
0x2e: {  	s3 =	simm.s32 @!p0 $0x1082;
	s9 =	sld [smem:$0x3FB6]  }
0x2f: {  	lr =	sadd.s32 s0, s3;
	s0 =	sld [smem:$0x3FAD]  }
0x30: {  	s3 =	sld [smem:$0x3FB0]  }
0x31: {  	[smem:$0x3FB9] =	sst s10  }
0x32: {  	s10 =	sld [smem:$0x3FB7];
	_ =	sdelay $0x3  }
0x33: {  	p0 =	seq.s32 s10, $0x1;
	s10 =	sld [smem:$0x3FB9];
	_ =	sdelay $0x3  }
0x34: {  	[smem:$0x3FB9] =	sst s10  }
0x35: {  	s10 =	sld [smem:$0x3FB8];
	_ =	sdelay $0x3  }
0x36: {  	p1 =	seq.s32 s10, $0x1;
	s10 =	sld [smem:$0x3FB9];
	_ =	sdelay $0x3  }
0x37: {  	[smem:$0x3FB9] =	sst s10  }
0x38: {  	s10 =	sld [smem:$0x3FBA]  }
0x39: {  	_ = 	snop;
	(pc) =	sbr.ind lr, $3  }
0x3a: {  	_ = 	snop  }
0x3b: {  	_ = 	snop  }
0x3c: {  	p2 =	seq.s32 s10, $0x1;
	s10 =	sld [smem:$0x3FB9]  }
0x3d: {  	_ =	shalt  }
0x3e: {  	_ =	shalt  }
0x3f: {  	_ =	shalt  }
0x40: {  	_ =	shalt  }
0x41: {  	_ =	shalt  }
0x42: {  	_ =	shalt  }
0x43: {  	_ =	shalt  }
0x44: {  	_ =	shalt  }
0x45: {  	_ =	shalt  }
0x46: {  	_ =	shalt  }
0x47: {  	_ =	shalt  }
0x48: {  	_ =	shalt  }
0x49: {  	_ =	shalt  }
0x4a: {  	_ =	shalt  }
0x4b: {  	_ =	shalt  }
0x4c: {  	_ =	shalt  }
0x4d: {  	_ =	shalt  }
0x4e: {  	_ =	shalt  }
0x4f: {  	_ =	shalt  }
0x50: {  	_ =	shalt  }
0x51: {  	_ =	shalt  }
0x52: {  	_ =	shalt  }
0x53: {  	_ =	shalt  }
0x54: {  	_ =	shalt  }
0x55: {  	_ =	shalt  }
0x56: {  	_ =	shalt  }
0x57: {  	_ =	shalt  }
0x58: {  	_ =	shalt  }
0x59: {  	_ =	shalt  }
0x5a: {  	_ =	shalt  }
0x5b: {  	_ =	shalt  }
0x5c: {  	_ =	shalt  }
0x5d: {  	_ =	shalt  }
0x5e: {  	_ =	shalt  }
0x5f: {  	_ =	shalt  }
0x60: {  	_ =	shalt  }
0x61: {  	_ =	shalt  }
0x62: {  	_ =	shalt  }
0x63: {  	_ =	shalt  }
0x64: {  	_ =	shalt  }
0x65: {  	_ =	shalt  }
0x66: {  	_ =	shalt  }
0x67: {  	_ =	shalt  }
0x68: {  	_ =	shalt  }
0x69: {  	_ =	shalt  }
0x6a: {  	_ =	shalt  }
0x6b: {  	_ =	shalt  }
0x6c: {  	_ =	shalt  }
0x6d: {  	_ =	shalt  }
0x6e: {  	_ =	shalt  }
0x6f: {  	_ =	shalt  }
0x70: {  	_ =	shalt  }
0x71: {  	_ =	shalt  }
0x72: {  	_ =	shalt  }
0x73: {  	_ =	shalt  }
0x74: {  	_ =	shalt  }
0x75: {  	_ =	shalt  }
0x76: {  	_ =	shalt  }
0x77: {  	_ =	shalt  }
0x78: {  	_ =	shalt  }
0x79: {  	_ =	shalt  }
0x7a: {  	_ =	shalt  }
0x7b: {  	_ =	shalt  }
0x7c: {  	_ =	shalt  }
0x7d: {  	_ =	shalt  }
0x7e: {  	_ =	shalt  }
0x7f: {  	_ =	shalt  }
0x80: {  	_ =	shalt  }
0x81: {  	_ =	shalt  }
0x82: {  	_ =	shalt  }
0x83: {  	_ =	shalt  }
0x84: {  	_ =	shalt  }
0x85: {  	_ =	shalt  }
0x86: {  	_ =	shalt  }
0x87: {  	_ =	shalt  }
.Lfunc_end0:
.L_simem_size_0:
called_computation_lowered:
.L_overlay_start_0:
0x88: {  	s0 =	sld [smem:$0x3FD9]  }
0x89: {  	s1 =	sld [smem:$0x3FFE];
	_ =	sdelay $0x3  }
0x8a: {  	s0 =	sadd.s32 s1, s0  }
0x8b: {  	[smem:$0x3FC5] =	sst s0  }
0x8c: {  	_ = 	snop  }
0x8d: {  	s0 =	sld [smem:$0x3FC7];
	(tm) =	ssettm $0x1  }
0x8e: {  	s16 =	sld [smem:$0x3FFB];
	_ =	sdelay $0x3  }
0x8f: {  	_ =	strace s16  }
0x90: {  	s1 =	sld [smem:$0x3FFC];
	_ =	sdelay $0x3  }
0x91: {  	_ =	strace s1  }
0x92: {  	s1 =	sld [smem:$0x3FFD];
	_ =	sdelay $0x3  }
0x93: {  	_ =	strace s1  }
0x94: {  	_ =	strace $0x8FFFFFFF  }
0x95: {  	s17 =	sld [smem:$0x3FDB];
	_ =	sdelay $0x1  }
0x96: {  	s2 =	simm.s32 $_scs_section_size  }
0x97: {  	s3 =	simm.s32 $_size__tile_overlayer_lowered;
	s4 =	simm.s32 $_tile_overlayer_lowered  }
0x98: {  	s20 =	simm.s32 $0x1BFF;
	s19 =	sshll.u32 s4, $0x1;
	s1 =	sadd.s32 s2, s17  }
0x99: {  	s5 =	simm.s32 $0x0;
	s18 =	sshll.u32 s3, $0x1;
	s3 =	sadd.s32 s19, s1  }
0x9a: {  	[timem:s5], [sflag:s20] =	dma.local [hbm:s3], s18  }
0x9b: {  	_ =	swait.ge [sflag:s20], s18  }
0x9c: {  	s2 =	ssub.s32 $0x0, s18;
	[sflag:s20] =	ssyncset.done $0x0  }
0x9d: {  	[sflag:s20] =	ssyncadd.s32 s2;
	_ =	sdelay $0x1  }
0x9e: {  	s21 =	simm.s32 $0x1B8B  }
0x9f: {  	_ =	swait.ge [sflag:s21], $0x1  }
0xa0: {  	[sflag:s21] =	ssyncset.done $0x0  }
0xa1: {  	s23 =	simm.s32 $0x1B8E;
	s22 =	sld [smem:$0x3FFE];
	[sflag:s21] =	ssyncadd.s32 $0xFFFFFFFF  }
0xa2: {  	s24 =	simm.s32 $execute0_lowered;
	[smem:$0x3FD2] =	sst s23  }
0xa3: {  	s3 =	sshll.u32 s24, $0x1;
	_ =	strace $0x80000046;
	[dreg:$0x1] =	wrdreg $0xFFFFFFFF  }
0xa4: {  	s25 =	simm.s32 $_size_execute0_lowered;
	s1 =	sadd.s32 s1, s3;
	[dreg:$0x0] =	wrdreg $0x0  }
0xa5: {  	s3 =	sshll.u32 s25, $0x1;
	[dreg:$0x2] =	wrdreg s1  }
0xa6: {  	[dreg:$0x3] =	wrdreg s3  }
0xa7: {  	[dreg:$0x4] =	wrdreg $0xC0  }
0xa8: {  	_ =	task [dreg:s5], $0x5FFFF  }
0xa9: {  	[dreg:$0x1] =	wrdreg $0xFFFFFFFF  }
0xaa: {  	[dreg:$0x0] =	wrdreg $0x60  }
0xab: {  	[dreg:$0x2] =	wrdreg s22  }
0xac: {  	[dreg:$0x3] =	wrdreg s0  }
0xad: {  	[dreg:$0x4] =	wrdreg $0xA0000  }
0xae: {  	[dreg:$0x5] =	wrdreg $0xA1400  }
0xaf: {  	[dreg:$0x6] =	wrdreg $0x9  }
0xb0: {  	_ =	task.clear_ibuf [dreg:s5], $0x7FFFF;
	_ =	strace $0x90000046  }
0xb1: {  	s26 =	simm.s32 $0x9;
	_ =	strace $0x80000048  }
0xb2: {  	_ =	swait.ge [sflag:s26], $0x1  }
0xb3: {  	[sflag:s26] =	ssyncadd.s32 $0xFFFFFFFF  }
0xb4: {  	_ =	strace $0x90000048  }
0xb5: {  	_ =	sfence  }
0xb6: {  	s28 =	sld [smem:$0x0];
	_ =	sdelay $0x1  }
0xb7: {  	s29 =	srdreg.scid  }
0xb8: {  	s30 =	sshll.u32 s29, $0xD;
	s31 =	sshrl.u32 s29, $0x2  }
0xb9: {  	s2 =	sand.u32 $0x4000, s30;
	s1 =	sand.u32 $0x1, s29;
	s0 =	sadd.s32 s31, s28  }
0xba: {  	s1 =	sor.u32 s2, s1;
	s0 =	sshll.u32 s0, $0x11  }
0xbb: {  	s0 =	sor.u32 s0, s1  }
0xbc: {  	s0 =	sadd.s32 $0x8F2B, s0  }
0xbd: {  	[sflag:s0] =	ssyncadd.remote.s32 $0x1  }
0xbe: {  	_ =	sfence.sel $0xFFFF  }
0xbf: {  	[dreg:$0x0] =	wrdreg $0xFFFFFFFF;
	(pc) =	sbr.abs _section_cstart, $3  }
0xc0: {  	[dreg:$0x1] =	wrdreg $0xFFFFFFFF  }
0xc1: {  	_ =	task.clear_ibuf [dreg:s5], $0x2FFFF;
	_ =	strace $0x9FFFFFFF  }
0xc2: {  	(tm) =	ssettm $0x7FFFFFFF  }
0xc3: {  	_ =	shalt  }
tec
execute0_lowered:
.L_overlay_start_1:
0x0: {  	(tag) =	ssettag $0x1  }
0x1: {  	s6 =	rddreg [dreg:$0x0];
	s0 =	stileid.u32  }
0x2: {  	s7 =	rddreg [dreg:$0x1];
	s2 =	smul.u32 $0x1880, s0  }
0x3: {  	s3 =	rddreg [dreg:$0x2]  }
0x4: {  	s4 =	rddreg [dreg:$0x3];
	s8 =	simm.s32 $0x0;
	s2 =	smin.u32 s2, $0x16E20  }
0x5: {  	[smem:$0x7FF] =	sst s8;
	s2 =	sshrl.u32 s2, $0x3  }
0x6: {  	s1 =	rddreg [dreg:$0x4];
	_ =	strace $0x80000047;
	s5 =	sadd.s32 s6, s2  }
0x7: {  	[tilespmem:s8], [sflag:$0x1] =	stream.linear.gather [hbm4b:s5+s8], $0x1880, $0x38;
	[tilespmem:$0xA280] =	vst v63  }
0x8: {  	s9 =	simm.s32 $0x1880;
	s5 =	sadd.s32 $0x3200, s5  }
0x9: {  	[tilespmem:s9], [sflag:$0x1] =	stream.linear.gather [hbm4b:s5+s8], $0x1880, $0x38;
	[tilespmem:$0xA280] =	vst v63  }
0xa: {  	s24 =	simm.s32 $0x3100;
	s7 =	sadd.s32 s7, s2  }
0xb: {  	v0 =	vimm.f32 $0.0e+00;
	[tilespmem:s24], [sflag:$0x1] =	stream.linear.gather [hbm4b:s7+s8], $0x1880, $0x38;
	[tilespmem:$0xA280] =	vst v63  }
0xc: {  	[tilespmem:$0x4A00] =	vst v0  }
0xd: {  	[tilespmem:$0x4A10] =	vst v0  }
0xe: {  	[tilespmem:$0x4A20] =	vst v0  }
0xf: {  	[tilespmem:$0x4A30] =	vst v0  }
0x10: {  	[tilespmem:$0x4A40] =	vst v0  }
0x11: {  	[tilespmem:$0x4A50] =	vst v0  }
0x12: {  	[tilespmem:$0x4A60] =	vst v0  }
0x13: {  	[tilespmem:$0x4A70] =	vst v0  }
0x14: {  	[tilespmem:$0x4A80] =	vst v0  }
0x15: {  	[tilespmem:$0x4A90] =	vst v0  }
0x16: {  	[tilespmem:$0x4AA0] =	vst v0  }
0x17: {  	[tilespmem:$0x4AB0] =	vst v0  }
0x18: {  	[tilespmem:$0x4AC0] =	vst v0  }
0x19: {  	[tilespmem:$0x4AD0] =	vst v0  }
0x1a: {  	[tilespmem:$0x4AE0] =	vst v0  }
0x1b: {  	[tilespmem:$0x4AF0] =	vst v0  }
0x1c: {  	[tilespmem:$0x4B00] =	vst v0  }
0x1d: {  	s25 =	smul.u32 $0x140, s0;
	[tilespmem:$0x4B10] =	vst v0  }
0x1e: {  	[tilespmem:$0x4B20] =	vst v0  }
0x1f: {  	s10 =	simm.s32 $0x4A00;
	s28 =	simm.s32 $0x3;
	s26 =	sadd.s32 s25, s3;
	[tilespmem:$0x4B30] =	vst v0  }
0x20: {  	[spmem:s26] =	stream.linear.scatter [tilespmem:s10], [sflag:$0x3], $0x140, $0x38;
	[tilespmem:$0xA280] =	vst v63  }
0x21: {  	_ =	swait.ge [sflag:s28], $0x140  }
0x22: {  	[sflag:s28] =	ssyncset.done $0x0  }
0x23: {  	s7 =	sadd.s32 s25, s4;
	[sflag:s28] =	ssyncadd.s32 $0xFFFFFEC0  }
0x24: {  	[spmem:s7] =	stream.linear.scatter [tilespmem:s10], [sflag:$0x3], $0x140, $0x38;
	[tilespmem:$0xA280] =	vst v63  }
0x25: {  	_ =	swait.ge [sflag:s28], $0x140  }
0x26: {  	s29 =	simm.s32 $0x30;
	v0 =	vlaneseq.u32;
	[sflag:s28] =	ssyncset.done $0x0  }
0x27: {  	s30 =	simm.s32 $0x10;
	v1 =	vor.u32 s29, v0;
	s7 =	simm.s32 $0x4BA0;
	[sflag:s28] =	ssyncadd.s32 $0xFFFFFEC0  }
0x28: {  	s31 =	simm.s32 $0x20;
	v2 =	vor.u32 s30, v0;
	[tilespmem:s7+$0x10] =	vst v1  }
0x29: {  	[tilespmem:s7+$0xFFFFFFF0] =	vst v2;
	v1 =	vor.u32 s31, v0  }
0x2a: {  	v2 =	vor.u32 s8, v0;
	[tilespmem:s7+$0x0] =	vst v1  }
0x2b: {  	s8 =	sadd.s32 $0x6400, s6;
	s6 =	simm.s32 $0x40;
	[tilespmem:s7+$0xFFFFFFE0] =	vst v2  }
.LBB2_1:
0x2c: {  	s9 =	sadd.s32 $0x30, s6  }
0x2d: {  	p0 =	slt.u32 s6, $0x13C0;
	s10 =	smov.u32 s6;
	s6 =	sadd.s32 $0x40, s6  }
.Ltmp0:
0x2e: {  	s7 =	sadd.s32 $0x40, s7;
	s11 =	sadd.s32 $0x10, s10;
	v1 =	vor.u32 s9, v0;
	(pc) =	sbr.rel @p0 .LBB2_1-.Ltmp0, $4  }
0x2f: {  	s9 =	sadd.s32 $0x20, s10;
	v2 =	vor.u32 s11, v0;
	[tilespmem:s7+$0x10] =	vst v1  }
0x30: {  	v1 =	vor.u32 s9, v0;
	[tilespmem:s7+$0xFFFFFFF0] =	vst v2  }
0x31: {  	v2 =	vor.u32 s10, v0;
	[tilespmem:s7+$0x0] =	vst v1  }
0x32: {  	[tilespmem:s7+$0xFFFFFFE0] =	vst v2  }
0x33: {  	[bflag:$0x0] =	sbarrier.arrive $0xFFFF;
	s6 =	simm.s32 $0x1  }
0x34: {  	_ =	swait.ge [sflag:s6], $0x1880  }
0x35: {  	[sflag:s6] =	ssyncset.done $0x0  }
0x36: {  	[sflag:s6] =	ssyncadd.s32 $0xFFFFE780  }
0x37: {  	_ =	swait.ge [sflag:s6], $0x1880  }
0x38: {  	[sflag:s6] =	ssyncset.done $0x0  }
0x39: {  	[sflag:s6] =	ssyncadd.s32 $0xFFFFE780  }
0x3a: {  	_ =	swait.ge [sflag:s6], $0x1880  }
0x3b: {  	[sflag:s6] =	ssyncset.done $0x0  }
0x3c: {  	[sflag:s6] =	ssyncadd.s32 $0xFFFFE780  }
0x3d: {  	v0 =	vld [tilespmem:$0x3100];
	_ =	sdelay $0x1  }
0x3e: {  	v1 =	vld [tilespmem:$0x4970];
	_ =	sdelay $0x2  }
0x3f: {  	v0 =	vxor.u32 $0x80000000, v0  }
0x40: {  	(xrf0) =	vmin.scan.msk.u32 $0xffff, v0  }
0x41: {  	v60 =	vxor.u32 $0x80000000, v1  }
0x42: {  	(xrf0) =	vmax.scan.msk.u32 $0xffff, v60;
	_ =	sdelay $0x3  }
0x43: {  	v61, _, _ =	vpop (xrf0)  }
0x44: {  	(v2sf) =	vpush v61, $0xF  }
0x45: {  	v62, _, _ =	vpop (xrf0)  }
0x46: {  	(v2sf) =	vpush v62, $0xF;
	_ =	sdelay $0x9  }
0x47: {  	p0 =	sne.s32 s0, $0xF;
	v63 =	vimm.s32 $0x1388  }
0x48: {  	[tilespmem:$0x4980] =	vst v63;
	v0 =	vimm.f32 @!p0 $+Inf  }
0x49: {  	[tilespmem:$0x1880] =	vst @!p0 v0  }
0x4a: {  	[tilespmem:$0x1890] =	vst @!p0 v0;
	s7 =	spop (v2sf)  }
0x4b: {  	[tilespmem:$0x18A0] =	vst @!p0 v0;
	s9 =	sxor.u32 $0x80000000, s7  }
0x4c: {  	[tilespmem:$0x18B0] =	vst @!p0 v0;
	s11 =	spop (v2sf);
	p2 =	sgt.s32 s7, $0xFFFFFFFF;
	s7 =	sand.u32 $0x7F, s7  }
0x4d: {  	[tilespmem:$0x18C0] =	vst @!p0 v0;
	s10 =	sshra.s32 s9, $0x1F;
	p1 =	slt.s32 s9, $0x1;
	p4 =	sne.s32 s7, $0x0  }
0x4e: {  	[tilespmem:$0x18D0] =	vst @!p0 v0;
	s26 =	sxor.u32 $0x80000000, s11;
	p3 =	sgt.s32 s11, $0xFFFFFFFF;
	s28 =	sand.u32 $0x7F, s11  }
0x4f: {  	[tilespmem:$0x18E0] =	vst @!p0 v0;
	s11 =	simm.s32 $0x1;
	s10 =	sshrl.u32 s10, $0x19;
	p1 =	por p2, p1  }
0x50: {  	[tilespmem:$0x18F0] =	vst @!p0 v0;
	p5 =	slt.s32 s26, $0x1;
	s29 =	sshra.s32 s26, $0x1F;
	p6 =	sne.s32 s28, $0x0  }
0x51: {  	[tilespmem:$0x1900] =	vst @!p0 v0;
	s9 =	sadd.s32 s10, s9;
	p1 =	por !p4, !p1;
	p2 =	por p3, p5  }
0x52: {  	[tilespmem:$0x1910] =	vst @!p0 v0;
	s30 =	sshrl.u32 s29, $0x19;
	s10 =	sshra.s32 s9, $0x7;
	p2 =	por !p6, !p2  }
0x53: {  	[tilespmem:$0x1920] =	vst @!p0 v0;
	p1 =	por !p1, !p1;
	s7 =	sadd.s32 s30, s26;
	p2 =	por !p2, !p2  }
0x54: {  	[tilespmem:$0x1930] =	vst @!p0 v0;
	s11 =	simm.s32 @!p1 $0x0;
	s9 =	sshra.s32 s7, $0x7;
	s6 =	simm.s32 @!p2 $0x0  }
0x55: {  	[tilespmem:$0x1940] =	vst @!p0 v0;
	s7 =	ssub.s32 s10, s11;
	s6 =	ssub.s32 s9, s6  }
0x56: {  	[tilespmem:$0x1950] =	vst @!p0 v0;
	s6 =	ssub.s32 s6, s7  }
0x57: {  	[tilespmem:$0x1960] =	vst @!p0 v0;
	s31 =	sshll.u32 s6, $0x7  }
0x58: {  	[tilespmem:$0x1970] =	vst @!p0 v0;
	s9 =	sadd.s32 $0x80, s31  }
0x59: {  	[tilespmem:$0x1980] =	vst @!p0 v0;
	p2 =	sgt.s32 s9, $0x0  }
.Ltmp1:
0x5a: {  	[tilespmem:$0x1990] =	vst @!p0 v0;
	(pc) =	sbr.rel @!p2 .LBB2_3-.Ltmp1, $4  }
0x5b: {  	[tilespmem:$0x19A0] =	vst @!p0 v0  }
0x5c: {  	[tilespmem:$0x19B0] =	vst @!p0 v0  }
0x5d: {  	[tilespmem:$0x19C0] =	vst @!p0 v0  }
0x5e: {  	[tilespmem:$0x19D0] =	vst @!p0 v0  }
0x5f: {  	s11 =	simm.s32 $0xFFFFFFFF  }
0x60: {  	s11 =	simm.s32 @!p1 $0x0;
	p1 =	sgt.s32 s9, $0x20  }
.Ltmp2:
0x61: {  	s10 =	sshll.u32 s10, $0x7;
	s11 =	sshll.u32 s11, $0x7;
	(pc) =	sbr.rel @!p1 .LBB2_9-.Ltmp2, $4  }
0x62: {  	s10 =	sadd.s32 s11, s10  }
0x63: {  	s31 =	simm.s32 $0x0;
	s12 =	sadd.s32 $0x0, s10  }
0x64: {  	s13 =	sand.u32 $0x60, s31;
	s12 =	sand.u32 $0xFFFFFF80, s12  }
0x65: {  	v0 =	vimm.f32 $0.0e+00;
	s11 =	simm.s32 $0x20;
	s12 =	sor.u32 s13, s12  }
.LBB2_8:
0x66: {  	s13 =	smov.u32 s11;
	s11 =	sadd.s32 $0x20, s11  }
0x67: {  	[tilespmem:s12+$0x8C10] =	vst v0;
	p1 =	slt.s32 s11, s9  }
.Ltmp3:
0x68: {  	[tilespmem:s12+$0x7810] =	vst v0;
	(pc) =	sbr.rel @p1 .LBB2_8-.Ltmp3, $4  }
0x69: {  	[tilespmem:s12+$0x7800] =	vst v0  }
0x6a: {  	s14 =	sadd.s32 s13, s10;
	[tilespmem:s12+$0x8C00] =	vst v0  }
0x6b: {  	s13 =	sand.u32 $0x60, s13;
	s12 =	sand.u32 $0xFFFFFF80, s14  }
0x6c: {  	s12 =	sor.u32 s13, s12  }
.LBB2_9:
0x6d: {  	[tilespmem:s12+$0x8C10] =	vst v0  }
0x6e: {  	[tilespmem:s12+$0x7810] =	vst v0  }
0x6f: {  	[tilespmem:s12+$0x7800] =	vst v0  }
0x70: {  	[tilespmem:s12+$0x8C00] =	vst v0  }
.LBB2_3:
0x71: {  	s11 =	simm.s32 $0x18C0  }
0x72: {  	s12 =	simm.s32 $0x40;
	v0 =	vld [tilespmem:s11+$0x30]  }
0x73: {  	v5 =	vld [tilespmem:s12+$0xFFFFFFC0]  }
0x74: {  	v9 =	vld [tilespmem:s12+$0xFFFFFFD0]  }
0x75: {  	v15 =	vld [tilespmem:s12+$0xFFFFFFF0]  }
0x76: {  	v17 =	vld [tilespmem:s12+$0xFFFFFFE0]  }
0x77: {  	(erf) = vrcp.f32 v0;
	v0 =	vld [tilespmem:s11+$0x20]  }
0x78: {  	v2 =	vld [tilespmem:s12+$0x20]  }
0x79: {  	s10 =	simm.s32 $0x3140;
	v3 =	vld [tilespmem:s12+$0x30]  }
0x7a: {  	v18 =	vld [tilespmem:s10+$0x30]  }
0x7b: {  	v1 =	vld [tilespmem:s10+$0x31]  }
0x7c: {  	(erf) = vrcp.f32 v0;
	v0 =	vld [tilespmem:s11+$0x10]  }
0x7d: {  	v4 =	vld [tilespmem:s11+$0x0]  }
0x7e: {  	v6 =	vld [tilespmem:s11+$0xFFFFFFF0]  }
0x7f: {  	v8 =	vld [tilespmem:s11+$0xFFFFFFE0]  }
0x80: {  	v10 =	vld [tilespmem:s11+$0xFFFFFFD0];
	v7 =	vpop (erf)  }
0x81: {  	v11 =	vld [tilespmem:s11+$0xFFFFFFC0];
	(xrf2) =	vadd.scan.msk.f32 $0xffff, v7;
	(erf) = vrcp.f32 v0  }
0x82: {  	v14 =	vld [tilespmem:s12+$0x0]  }
0x83: {  	v19 =	vld [tilespmem:s12+$0x10];
	(erf) = vrcp.f32 v4;
	v4 =	vmul.f32 v7, v3  }
0x84: {  	v16 =	vld [tilespmem:s10+$0x20];
	(erf) = vrcp.f32 v6  }
0x85: {  	v13 =	vld [tilespmem:s10+$0x0];
	(erf) = vrcp.f32 v8;
	(xrf2) =	vadd.scan.msk.f32 $0xffff, v4;
	v6 =	vpop (erf)  }
0x86: {  	v27 =	vld [tilespmem:s10+$0x10];
	v7 =	vmul.f32 v6, v2  }
0x87: {  	v0 =	vld [tilespmem:s10+$0xFFFFFFF1];
	(erf) = vrcp.f32 v10  }
0x88: {  	vm1 =	vcmask $0x3F3C;
	vm3 =	vne.s32 v18, v1;
	(erf) = vrcp.f32 v11;
	v2 =	vld [tilespmem:s10+$0x21];
	(xrf2) =	vadd.scan.msk.f32 $0xffff, v7  }
0x89: {  	vm2 =	vmor vm3, vm1;
	v3 =	vld [tilespmem:s10+$0xFFFFFFF0];
	(xrf2) =	vadd.scan.msk.f32 $0xffff, v6  }
0x8a: {  	v4 =	vld [tilespmem:s10+$0xFFFFFFE1];
	v23 =	vpop (erf)  }
0x8b: {  	v8 =	vld [tilespmem:s10+$0xFFFFFFD0];
	v21, _, _ =	vpop (xrf2)  }
0x8c: {  	vm0 =	vmmov $0x7fff;
	v10 =	vld [tilespmem:s10+$0x1];
	v24 =	vpop (erf);
	(xrf2) =	vadd.scan.msk.f32 $0xffff, v23  }
0x8d: {  	vm4 =	vmand vm3, vm0;
	v11 =	vld [tilespmem:s10+$0xFFFFFFC0];
	vm6 =	vne.s32 v16, v2;
	v29 =	vmul.f32 v23, v19;
	v7 =	vpop (erf)  }
0x8e: {  	s2 =	sadd.s32 s8, s2;
	s8 =	simm.s32 $0x7800;
	v6 =	vld [tilespmem:s10+$0xFFFFFFD1];
	vm8 =	vmor vm6, vm1;
	v12 =	vpop (erf)  }
0x8f: {  	[tilespmem:v18+s8+$0x0] =	vst.idx.add.f32.msk vm2, v21;
	v28, _, _ =	vpop (xrf2);
	(xrf2) =	vadd.scan.msk.f32 $0xffff, v29  }
0x90: {  	s9 =	simm.s32 $0x8C00;
	v25 =	vmul.f32 v24, v14;
	v14 =	vld [tilespmem:s10+$0x11];
	v22 =	vpop (erf)  }
0x91: {  	vm3 =	vne.s32 v3, v0;
	v21 =	vsub.f32 $0.0e+00, v21;
	v15 =	vmul.f32 v7, v15;
	v26 =	vpop (erf);
	[tilespmem:v18+s9+$0x0] =	vst.idx.add.f32.msk vm2, v28  }
0x92: {  	vm7 =	vne.s32 v13, v10;
	v20 =	vmul.f32 v12, v17;
	v18 =	vmul.f32 v26, v5;
	v5 =	vld [tilespmem:s10+$0xFFFFFFC1];
	v17, _, _ =	vpop (xrf2)  }
0x93: {  	vm5 =	vne.s32 v8, v6;
	v19 =	vmul.f32 v22, v9;
	[tilespmem:v1+s8+$0x0] =	vst.idx.add.f32.msk vm4, v21;
	(xrf2) =	vadd.scan.msk.f32 $0xffff, v15;
	v23, _, _ =	vpop (xrf2)  }
0x94: {  	s13 =	simm.s32 $0x0;
	s14 =	simm.s32 $0xC0;
	s12 =	simm.s32 $0x3140;
	vm2 =	vmor vm3, vm1;
	v9 =	vsub.f32 $0.0e+00, v17;
	[tilespmem:v16+s8+$0x0] =	vst.idx.add.f32.msk vm8, v23;
	v29 =	vsub.f32 $0.0e+00, v23  }
.LBB2_4:
0x95: {  	s13 =	sadd.s32 $0x80, s13;
	[tilespmem:v16+s9+$0x0] =	vst.idx.add.f32.msk vm8, v17;
	s10 =	sadd.s32 $0x80, s10;
	s11 =	sadd.s32 $0x80, s11  }
0x96: {  	v16 =	vld [tilespmem:s14+$0xFFFFFFC0];
	p1 =	slt.u32 s13, $0x1800;
	(xrf2) =	vadd.scan.msk.f32 $0xffff, v20;
	v30, _, _ =	vpop (xrf2)  }
0x97: {  	v17 =	vld [tilespmem:s14+$0xFFFFFFD0];
	vm8 =	vne.s32 v11, v5  }
0x98: {  	v21 =	vld [tilespmem:s14+$0xFFFFFFF0]  }
0x99: {  	vm9 =	vne.s32 v27, v14;
	v20 =	vld [tilespmem:s14+$0xFFFFFFE0];
	(xrf2) =	vadd.scan.msk.f32 $0xffff, v24;
	v31, _, _ =	vpop (xrf2)  }
0x9a: {  	vm6 =	vmand vm6, vm0;
	vm11 =	vmor vm9, vm1;
	v32 =	vsub.f32 $0.0e+00, v30;
	v23 =	vld [tilespmem:s14+$0x0]  }
0x9b: {  	v24 =	vld [tilespmem:s14+$0x10]  }
0x9c: {  	v33 =	vld [tilespmem:s14+$0x20];
	(xrf2) =	vadd.scan.msk.f32 $0xffff, v25  }
0x9d: {  	v28 =	vsub.f32 $0.0e+00, v28;
	v34 =	vsub.f32 $0.0e+00, v31;
	v25 =	vld [tilespmem:s14+$0x30];
	v35, _, _ =	vpop (xrf2)  }
0x9e: {  	v15 =	vld [tilespmem:s10+$0x30]  }
0x9f: {  	v36 =	vld [tilespmem:s10+$0x31];
	(xrf2) =	vadd.scan.msk.f32 $0xffff, v26  }
0xa0: {  	v26 =	vld [tilespmem:s11+$0xFFFFFFC0];
	v37, _, _ =	vpop (xrf2)  }
0xa1: {  	v38 =	vld [tilespmem:s11+$0xFFFFFFD0]  }
0xa2: {  	v39 =	vld [tilespmem:s11+$0xFFFFFFE0];
	(xrf2) =	vadd.scan.msk.f32 $0xffff, v22  }
0xa3: {  	vm10 =	vmand vm9, vm0;
	v22 =	vld [tilespmem:s11+$0xFFFFFFF0];
	v40, _, _ =	vpop (xrf2)  }
0xa4: {  	vm9 =	vmor vm8, vm1;
	v42 =	vsub.f32 $0.0e+00, v37;
	v41 =	vld [tilespmem:s11+$0x10]  }
0xa5: {  	vm12 =	vmor vm7, vm1;
	v43 =	vld [tilespmem:s11+$0x30]  }
0xa6: {  	[tilespmem:v27+s8+$0x0] =	vst.idx.add.f32.msk vm11, v30;
	(xrf2) =	vadd.scan.msk.f32 $0xffff, v19;
	v19, _, _ =	vpop (xrf2)  }
0xa7: {  	[tilespmem:v27+s9+$0x0] =	vst.idx.add.f32.msk vm11, v31  }
0xa8: {  	v30 =	vsub.f32 $0.0e+00, v19;
	v27 =	vld [tilespmem:s11+$0x0]  }
0xa9: {  	vm3 =	vmand vm3, vm0;
	[tilespmem:v2+s8+$0x0] =	vst.idx.add.f32.msk vm6, v29;
	v29, _, _ =	vpop (xrf2);
	(xrf2) =	vadd.scan.msk.f32 $0xffff, v18  }
0xaa: {  	v18 =	vld [tilespmem:s11+$0x20]  }
0xab: {  	v31 =	vld [tilespmem:s12+$0xFFFFFFE0];
	s12 =	smov.u32 s10  }
0xac: {  	vm7 =	vmand vm7, vm0;
	[tilespmem:v13+s8+$0x0] =	vst.idx.add.f32.msk vm12, v40;
	v44, _, _ =	vpop (xrf2)  }
0xad: {  	[tilespmem:v11+s8+$0x0] =	vst.idx.add.f32.msk vm9, v29;
	(xrf2) =	vadd.scan.msk.f32 $0xffff, v12  }
0xae: {  	v12 =	vsub.f32 $0.0e+00, v35;
	[tilespmem:v14+s8+$0x0] =	vst.idx.add.f32.msk vm10, v32  }
0xaf: {  	vm11 =	vmor vm5, vm1;
	v32 =	vsub.f32 $0.0e+00, v40;
	[tilespmem:v1+s9+$0x0] =	vst.idx.add.f32.msk vm4, v28;
	v1 =	vmov v36  }
0xb0: {  	vm4 =	vne.s32 v31, v4;
	[tilespmem:v14+s9+$0x0] =	vst.idx.add.f32.msk vm10, v34;
	v14, _, _ =	vpop (xrf2)  }
0xb1: {  	vm5 =	vmand vm5, vm0;
	[tilespmem:v13+s9+$0x0] =	vst.idx.add.f32.msk vm12, v19;
	(xrf2) =	vadd.scan.msk.f32 $0xffff, v7  }
0xb2: {  	vm10 =	vmor vm4, vm1;
	[tilespmem:v10+s8+$0x0] =	vst.idx.add.f32.msk vm7, v32  }
0xb3: {  	[tilespmem:v10+s9+$0x0] =	vst.idx.add.f32.msk vm7, v30;
	v7, _, _ =	vpop (xrf2)  }
0xb4: {  	[tilespmem:v11+s9+$0x0] =	vst.idx.add.f32.msk vm9, v7  }
0xb5: {  	vm4 =	vmand vm4, vm0;
	v11 =	vsub.f32 $0.0e+00, v44;
	(erf) = vrcp.f32 v43;
	[tilespmem:v8+s8+$0x0] =	vst.idx.add.f32.msk vm11, v44  }
0xb6: {  	(erf) = vrcp.f32 v18;
	[tilespmem:v8+s9+$0x0] =	vst.idx.add.f32.msk vm11, v14  }
0xb7: {  	v8 =	vsub.f32 $0.0e+00, v14;
	(erf) = vrcp.f32 v41;
	[tilespmem:v6+s8+$0x0] =	vst.idx.add.f32.msk vm5, v11;
	v10, _, _ =	vpop (xrf2)  }
0xb8: {  	v11 =	vsub.f32 $0.0e+00, v7;
	(erf) = vrcp.f32 v27;
	[tilespmem:v31+s8+$0x0] =	vst.idx.add.f32.msk vm10, v10  }
0xb9: {  	v7 =	vsub.f32 $0.0e+00, v10;
	(erf) = vrcp.f32 v22;
	[tilespmem:v6+s9+$0x0] =	vst.idx.add.f32.msk vm5, v8  }
0xba: {  	(erf) = vrcp.f32 v39;
	[tilespmem:v31+s9+$0x0] =	vst.idx.add.f32.msk vm10, v37  }
0xbb: {  	vm5 =	vmand vm8, vm0;
	(erf) = vrcp.f32 v38;
	[tilespmem:v4+s8+$0x0] =	vst.idx.add.f32.msk vm4, v7;
	v6, _, _ =	vpop (xrf2)  }
0xbc: {  	(erf) = vrcp.f32 v26;
	[tilespmem:v3+s8+$0x0] =	vst.idx.add.f32.msk vm2, v6  }
0xbd: {  	[tilespmem:v4+s9+$0x0] =	vst.idx.add.f32.msk vm4, v42;
	v4 =	vsub.f32 $0.0e+00, v6  }
0xbe: {  	vm4 =	vne.s32 v15, v1;
	v6 =	vpop (erf);
	[tilespmem:v3+s9+$0x0] =	vst.idx.add.f32.msk vm2, v35  }
0xbf: {  	v3 =	vmul.f32 v6, v25;
	v8 =	vpop (erf);
	(xrf2) =	vadd.scan.msk.f32 $0xffff, v6;
	[tilespmem:v0+s8+$0x0] =	vst.idx.add.f32.msk vm3, v4  }
0xc0: {  	v6 =	vsub.f32 $0.0e+00, v29;
	v4 =	vmul.f32 v8, v33;
	v13 =	vpop (erf);
	[tilespmem:v2+s9+$0x0] =	vst.idx.add.f32.msk vm6, v9  }
0xc1: {  	v9 =	vmul.f32 v13, v24;
	v24 =	vpop (erf);
	[tilespmem:v0+s9+$0x0] =	vst.idx.add.f32.msk vm3, v12  }
0xc2: {  	v25 =	vmul.f32 v24, v23;
	v7 =	vpop (erf);
	(xrf2) =	vadd.scan.msk.f32 $0xffff, v3;
	[tilespmem:v5+s8+$0x0] =	vst.idx.add.f32.msk vm5, v6  }
0xc3: {  	v21 =	vmul.f32 v7, v21;
	v12 =	vpop (erf);
	[tilespmem:v5+s9+$0x0] =	vst.idx.add.f32.msk vm5, v11  }
0xc4: {  	vm7 =	vmor vm4, vm1;
	v20 =	vmul.f32 v12, v20;
	v0 =	vld [tilespmem:s10+$0xFFFFFFF1];
	v22 =	vpop (erf)  }
0xc5: {  	v19 =	vmul.f32 v22, v17;
	v3 =	vld [tilespmem:s10+$0xFFFFFFF0];
	v26 =	vpop (erf);
	(xrf2) =	vadd.scan.msk.f32 $0xffff, v4  }
0xc6: {  	v18 =	vmul.f32 v26, v16;
	v2 =	vld [tilespmem:s10+$0x21]  }
0xc7: {  	v16 =	vld [tilespmem:s10+$0x20]  }
0xc8: {  	v4 =	vld [tilespmem:s10+$0xFFFFFFE1];
	(xrf2) =	vadd.scan.msk.f32 $0xffff, v8  }
0xc9: {  	v6 =	vld [tilespmem:s10+$0xFFFFFFD1];
	v23, _, _ =	vpop (xrf2)  }
0xca: {  	vm3 =	vne.s32 v3, v0;
	[tilespmem:v15+s8+$0x0] =	vst.idx.add.f32.msk vm7, v23  }
0xcb: {  	v8 =	vld [tilespmem:s10+$0xFFFFFFD0]  }
0xcc: {  	vm2 =	vmor vm3, vm1;
	v10 =	vld [tilespmem:s10+$0x1];
	vm6 =	vne.s32 v16, v2;
	(xrf2) =	vadd.scan.msk.f32 $0xffff, v13;
	v28, _, _ =	vpop (xrf2)  }
0xcd: {  	v13 =	vld [tilespmem:s10+$0x0];
	vm8 =	vmor vm6, vm1  }
0xce: {  	vm4 =	vmand vm4, vm0;
	v11 =	vld [tilespmem:s10+$0xFFFFFFC0]  }
0xcf: {  	v14 =	vld [tilespmem:s10+$0x11];
	(xrf2) =	vadd.scan.msk.f32 $0xffff, v9;
	v17, _, _ =	vpop (xrf2)  }
.Ltmp4:
0xd0: {  	vm5 =	vne.s32 v8, v6;
	v27 =	vld [tilespmem:s10+$0x10];
	(pc) =	sbr.rel @p1 .LBB2_4-.Ltmp4, $4  }
0xd1: {  	[tilespmem:v15+s9+$0x0] =	vst.idx.add.f32.msk vm7, v28  }
0xd2: {  	v15 =	vsub.f32 $0.0e+00, v23;
	v5 =	vld [tilespmem:s10+$0xFFFFFFC1];
	vm7 =	vne.s32 v13, v10;
	v23, _, _ =	vpop (xrf2)  }
0xd3: {  	v9 =	vsub.f32 $0.0e+00, v17;
	[tilespmem:v16+s8+$0x0] =	vst.idx.add.f32.msk vm8, v23;
	(xrf2) =	vadd.scan.msk.f32 $0xffff, v21  }
0xd4: {  	s14 =	sadd.s32 $0x80, s14;
	v29 =	vsub.f32 $0.0e+00, v23;
	[tilespmem:v1+s8+$0x0] =	vst.idx.add.f32.msk vm4, v15  }
0xd5: {  	_ =	sdelay $0x1  }
0xd6: {  	(xrf2) =	vadd.scan.msk.f32 $0xffff, v20;
	vm11 =	vne.s32 v27, v14;
	vm6 =	vmand vm6, vm0  }
0xd7: {  	(xrf2) =	vadd.scan.msk.f32 $0xffff, v24;
	vm12 =	vmor vm11, vm1  }
0xd8: {  	(xrf2) =	vadd.scan.msk.f32 $0xffff, v25  }
0xd9: {  	[tilespmem:v16+s9+$0x0] =	vst.idx.add.f32.msk vm8, v17;
	v23 =	vsub.f32 $0.0e+00, v28;
	(xrf2) =	vadd.scan.msk.f32 $0xffff, v26  }
0xda: {  	v21 =	vld [tilespmem:s12+$0xFFFFFFE0];
	vm11 =	vmand vm11, vm0  }
0xdb: {  	[tilespmem:v1+s9+$0x0] =	vst.idx.add.f32.msk vm4, v23  }
0xdc: {  	vm10 =	vmor vm7, vm1;
	v15, _, _ =	vpop (xrf2);
	(xrf2) =	vadd.scan.msk.f32 $0xffff, v22;
	[tilespmem:v2+s8+$0x0] =	vst.idx.add.f32.msk vm6, v29  }
0xdd: {  	vm9 =	vne.s32 v11, v5;
	v44, _, _ =	vpop (xrf2);
	(xrf2) =	vadd.scan.msk.f32 $0xffff, v19;
	[tilespmem:v27+s8+$0x0] =	vst.idx.add.f32.msk vm12, v15  }
0xde: {  	vm8 =	vmor vm9, vm1;
	v15 =	vsub.f32 $0.0e+00, v15;
	[tilespmem:v2+s9+$0x0] =	vst.idx.add.f32.msk vm6, v9  }
0xdf: {  	vm7 =	vmand vm7, vm0;
	v50 =	vsub.f32 $0.0e+00, v44;
	v45, _, _ =	vpop (xrf2);
	[tilespmem:v27+s9+$0x0] =	vst.idx.add.f32.msk vm12, v44  }
0xe0: {  	(xrf2) =	vadd.scan.msk.f32 $0xffff, v18;
	[tilespmem:v14+s8+$0x0] =	vst.idx.add.f32.msk vm11, v15;
	v46, _, _ =	vpop (xrf2)  }
0xe1: {  	vm12 =	vmor vm5, vm1;
	[tilespmem:v14+s9+$0x0] =	vst.idx.add.f32.msk vm11, v50;
	v47, _, _ =	vpop (xrf2)  }
0xe2: {  	(xrf2) =	vadd.scan.msk.f32 $0xffff, v12;
	v48, _, _ =	vpop (xrf2);
	[tilespmem:v13+s8+$0x0] =	vst.idx.add.f32.msk vm10, v47  }
0xe3: {  	vm13 =	vmand vm5, vm0;
	v52 =	vsub.f32 $0.0e+00, v47;
	v49, _, _ =	vpop (xrf2);
	[tilespmem:v13+s9+$0x0] =	vst.idx.add.f32.msk vm10, v48  }
0xe4: {  	v51 =	vsub.f32 $0.0e+00, v48;
	[tilespmem:v11+s8+$0x0] =	vst.idx.add.f32.msk vm8, v49  }
0xe5: {  	[tilespmem:v10+s8+$0x0] =	vst.idx.add.f32.msk vm7, v52  }
0xe6: {  	vm15 =	vmand vm9, vm0;
	vm11 =	vne.s32 v21, v4;
	v53, _, _ =	vpop (xrf2);
	[tilespmem:v10+s9+$0x0] =	vst.idx.add.f32.msk vm7, v51  }
0xe7: {  	vm14 =	vmor vm11, vm1;
	(xrf2) =	vadd.scan.msk.f32 $0xffff, v7;
	v54, _, _ =	vpop (xrf2);
	[tilespmem:v8+s8+$0x0] =	vst.idx.add.f32.msk vm12, v53;
	v56 =	vsub.f32 $0.0e+00, v53  }
0xe8: {  	[tilespmem:v8+s9+$0x0] =	vst.idx.add.f32.msk vm12, v54;
	v7 =	vsub.f32 $0.0e+00, v54  }
0xe9: {  	[tilespmem:v6+s8+$0x0] =	vst.idx.add.f32.msk vm13, v56  }
0xea: {  	vm4 =	vmand vm11, vm0;
	v63 =	vsub.f32 $0.0e+00, v49;
	v55, _, _ =	vpop (xrf2);
	[tilespmem:v6+s9+$0x0] =	vst.idx.add.f32.msk vm13, v7  }
0xeb: {  	[tilespmem:v11+s9+$0x0] =	vst.idx.add.f32.msk vm8, v55  }
0xec: {  	v1 =	vsub.f32 $0.0e+00, v55;
	v57, _, _ =	vpop (xrf2);
	[tilespmem:v5+s8+$0x0] =	vst.idx.add.f32.msk vm15, v63  }
0xed: {  	[tilespmem:v21+s8+$0x0] =	vst.idx.add.f32.msk vm14, v57  }
0xee: {  	vm3 =	vmand vm3, vm0;
	v58 =	vsub.f32 $0.0e+00, v57;
	[tilespmem:v5+s9+$0x0] =	vst.idx.add.f32.msk vm15, v1  }
0xef: {  	v59 =	vsub.f32 $0.0e+00, v46;
	[tilespmem:v21+s9+$0x0] =	vst.idx.add.f32.msk vm14, v46  }
0xf0: {  	[tilespmem:v4+s8+$0x0] =	vst.idx.add.f32.msk vm4, v58  }
0xf1: {  	v60, _, _ =	vpop (xrf2);
	[tilespmem:v4+s9+$0x0] =	vst.idx.add.f32.msk vm4, v59  }
0xf2: {  	[tilespmem:v3+s8+$0x0] =	vst.idx.add.f32.msk vm2, v60;
	v61 =	vsub.f32 $0.0e+00, v60  }
0xf3: {  	v62 =	vsub.f32 $0.0e+00, v45;
	[tilespmem:v3+s9+$0x0] =	vst.idx.add.f32.msk vm2, v45  }
0xf4: {  	[tilespmem:v0+s8+$0x0] =	vst.idx.add.f32.msk vm3, v61  }
0xf5: {  	p1 =	sgt.s32 s6, $0xFFFFFFFF;
	s8 =	simm.s32 @!p0 $0x0;
	[tilespmem:v0+s9+$0x0] =	vst.idx.add.f32.msk vm3, v62;
	s9 =	simm.s32 @!p0 $0x1880  }
0xf6: {  	[tilespmem:s9], [sflag:$0x3] =	stream.linear.gather @!p0 [hbm4b:s5+s8], $0x160, $0x38;
	[tilespmem:$0xA280] =	vst v63  }
.Ltmp5:
0xf7: {  	_ = 	snop;
	(pc) =	sbr.rel @!p1 .LBB2_6-.Ltmp5, $4  }
0xf8: {  	s5 =	simm.s32 @!p0 $0x3  }
0xf9: {  	_ =	swait.ge @!p0 [sflag:s5], $0x160  }
0xfa: {  	[sflag:s5] =	ssyncset.done @!p0 $0x0  }
0xfb: {  	[sflag:s5] =	ssyncadd.s32 @!p0 $0xFFFFFEA0  }
0xfc: {  	s5 =	sshll.u32 s7, $0x9  }
0xfd: {  	s10 =	simm.s32 $0x80;
	s8 =	sshra.s32 s5, $0x2  }
0xfe: {  	s6 =	sadd.s32 $0x1, s6;
	s5 =	sadd.s32 $0x7800, s8;
	s9 =	sadd.s32 $0x4B80, s8  }
0xff: {  	[spmem:s3] =	stream.indirect.scatter.add.f32 [tilespmem:s5], [sflag:$0x2], $0x1, s9, s10, $0xb8;
	[tilespmem:$0xA280] =	vst v63  }
0x100: {  	s11 =	simm.s32 $0x2;
	p0 =	sne.s32 s6, $0x1;
	s7 =	sadd.s32 $0x8C00, s8  }
0x101: {  	[spmem:s4] =	stream.indirect.scatter.add.f32 [tilespmem:s7], [sflag:$0x2], $0x1, s9, s10, $0xb8;
	[tilespmem:$0xA280] =	vst v63  }
.Ltmp6:
0x102: {  	_ =	swait.ge [sflag:s11], $0x80;
	(pc) =	sbr.rel @!p0 .LBB2_13-.Ltmp6, $4  }
0x103: {  	[sflag:s11] =	ssyncset.done $0x0  }
0x104: {  	[sflag:s11] =	ssyncadd.s32 $0xFFFFFF80  }
0x105: {  	_ =	swait.ge [sflag:s11], $0x80  }
0x106: {  	s12 =	sadd.s32 $0xFFFFFFFF, s6;
	s13 =	sadd.s32 $0x80, s7;
	[sflag:s11] =	ssyncset.done $0x0  }
0x107: {  	s14 =	smov.u32 s5  }
.LBB2_12:
0x108: {  	[sflag:s11] =	ssyncadd.s32 $0xFFFFFF80;
	s14 =	sadd.s32 $0x80, s14;
	s9 =	sadd.s32 $0x80, s9  }
0x109: {  	[spmem:s3] =	stream.indirect.scatter.add.f32 [tilespmem:s14], [sflag:$0x2], $0x1, s9, s10, $0xb8;
	[tilespmem:$0xA280] =	vst v63  }
0x10a: {  	p1 =	sne.s32 s12, $0x1;
	s12 =	sadd.s32 $0xFFFFFFFF, s12  }
0x10b: {  	[spmem:s4] =	stream.indirect.scatter.add.f32 [tilespmem:s13], [sflag:$0x2], $0x1, s9, s10, $0xb8;
	[tilespmem:$0xA280] =	vst v63  }
.Ltmp7:
0x10c: {  	_ =	swait.ge [sflag:s11], $0x80;
	(pc) =	sbr.rel @p1 .LBB2_12-.Ltmp7, $4  }
0x10d: {  	[sflag:s11] =	ssyncset.done $0x0  }
0x10e: {  	[sflag:s11] =	ssyncadd.s32 $0xFFFFFF80  }
0x10f: {  	_ =	swait.ge [sflag:s11], $0x80  }
0x110: {  	s13 =	sadd.s32 $0x80, s13;
	[sflag:s11] =	ssyncset.done $0x0  }
.LBB2_13:
0x111: {  	[sflag:s11] =	ssyncadd.s32 $0xFFFFFF80  }
0x112: {  	s3 =	sadd.s32 s8, s3;
	[bflag:$0x0] =	sbarrier.arrive $0xFFFF  }
0x113: {  	[tilespmem:s5], [sflag:$0x1] =	stream.linear.gather [spmem:s3], $0x80, $0x38;
	[tilespmem:$0xA280] =	vst v63  }
0x114: {  	s31 =	sadd.s32 s8, s4;
	s4 =	simm.s32 $0x1  }
0x115: {  	[tilespmem:s7], [sflag:$0x1] =	stream.linear.gather [spmem:s31], $0x80, $0x38;
	[tilespmem:$0xA280] =	vst v63  }
.Ltmp8:
0x116: {  	_ =	swait.ge [sflag:s4], $0x80;
	(pc) =	sbr.rel @!p0 .LBB2_15-.Ltmp8, $4  }
0x117: {  	[sflag:s4] =	ssyncset.done $0x0  }
0x118: {  	[sflag:s4] =	ssyncadd.s32 $0xFFFFFF80  }
0x119: {  	s6 =	sadd.s32 $0xFFFFFFFF, s6;
	_ =	swait.ge [sflag:s4], $0x80  }
0x11a: {  	s8 =	sadd.s32 $0x80, s31;
	s7 =	sadd.s32 $0x80, s7;
	[sflag:s4] =	ssyncset.done $0x0  }
.LBB2_14:
0x11b: {  	[sflag:s4] =	ssyncadd.s32 $0xFFFFFF80;
	s5 =	sadd.s32 $0x80, s5;
	s3 =	sadd.s32 $0x80, s3  }
0x11c: {  	[tilespmem:s5], [sflag:$0x1] =	stream.linear.gather [spmem:s3], $0x80, $0x38;
	[tilespmem:$0xA280] =	vst v63  }
0x11d: {  	p0 =	sne.s32 s6, $0x1;
	s6 =	sadd.s32 $0xFFFFFFFF, s6  }
0x11e: {  	[tilespmem:s7], [sflag:$0x1] =	stream.linear.gather [spmem:s8], $0x80, $0x38;
	[tilespmem:$0xA280] =	vst v63  }
.Ltmp9:
0x11f: {  	_ =	swait.ge [sflag:s4], $0x80;
	(pc) =	sbr.rel @p0 .LBB2_14-.Ltmp9, $4  }
0x120: {  	[sflag:s4] =	ssyncset.done $0x0  }
0x121: {  	[sflag:s4] =	ssyncadd.s32 $0xFFFFFF80  }
0x122: {  	_ =	swait.ge [sflag:s4], $0x80  }
0x123: {  	s7 =	sadd.s32 $0x80, s7;
	s8 =	sadd.s32 $0x80, s8;
	[sflag:s4] =	ssyncset.done $0x0  }
.LBB2_15:
.Ltmp10:
0x124: {  	(pc) =	sbr.rel .LBB2_16-.Ltmp10, $2  }
0x125: {  	_ =	sdelay $0x2  }
0x126: {  	[sflag:s4] =	ssyncadd.s32 $0xFFFFFF80  }
.LBB2_6:
0x127: {  	[bflag:$0x0] =	sbarrier.arrive $0xFFFF  }
.LBB2_16:
0x128: {  	s4 =	simm.s32 $0x3140  }
0x129: {  	v0 =	vld [tilespmem:s4+$0x30]  }
0x12a: {  	v1 =	vld [tilespmem:s4+$0xFFFFFFD0]  }
0x12b: {  	v2 =	vld [tilespmem:s4+$0xFFFFFFE0]  }
0x12c: {  	v3 =	vld [tilespmem:s4+$0xFFFFFFF0]  }
0x12d: {  	v4 =	vld [tilespmem:s4+$0x0]  }
0x12e: {  	v5 =	vld [tilespmem:s4+$0x10]  }
0x12f: {  	v6 =	vld [tilespmem:s4+$0x20]  }
0x130: {  	v7 =	vld [tilespmem:s4+$0xFFFFFFC0];
	s4 =	simm.s32 $0x18C0  }
0x131: {  	s3 =	simm.s32 $0x7800;
	v11 =	vld [tilespmem:s4+$0x30]  }
0x132: {  	v8 =	vld.idx.msk [tilespmem:v0+s3+$0x0], $0xffff  }
0x133: {  	v9 =	vld.idx.msk [tilespmem:v1+s3+$0x0], $0xffff  }
0x134: {  	v15 =	vld [tilespmem:s4+$0x20]  }
0x135: {  	v10 =	vld.idx.msk [tilespmem:v2+s3+$0x0], $0xffff  }
0x136: {  	v12 =	vld.idx.msk [tilespmem:v3+s3+$0x0], $0xffff  }
0x137: {  	v13 =	vld.idx.msk [tilespmem:v4+s3+$0x0], $0xffff;
	(erf) = vrcp.f32 v8  }
0x138: {  	v14 =	vld.idx.msk [tilespmem:v5+s3+$0x0], $0xffff;
	(erf) = vrcp.f32 v9  }
0x139: {  	v8 =	vld.idx.msk [tilespmem:v7+s3+$0x0], $0xffff;
	(erf) = vrcp.f32 v11  }
0x13a: {  	v9 =	vld.idx.msk [tilespmem:v6+s3+$0x0], $0xffff;
	(erf) = vrcp.f32 v10  }
0x13b: {  	v11 =	vld [tilespmem:s4+$0xFFFFFFC0];
	(erf) = vrcp.f32 v12  }
0x13c: {  	v10 =	vld [tilespmem:s4+$0xFFFFFFD0];
	(erf) = vrcp.f32 v13  }
0x13d: {  	s5 =	simm.s32 $0x8C00;
	v12 =	vld [tilespmem:s4+$0xFFFFFFE0];
	(erf) = vrcp.f32 v14  }
0x13e: {  	v0 =	vld.idx.msk [tilespmem:v0+s5+$0x0], $0xffff;
	(erf) = vrcp.f32 v8  }
0x13f: {  	v8 =	vld [tilespmem:s4+$0xFFFFFFF0];
	(erf) = vrcp.f32 v9  }
0x140: {  	v9 =	vld [tilespmem:s4+$0x0];
	(erf) = vrcp.f32 v11;
	v11 =	vpop (erf)  }
0x141: {  	v14 =	vld [tilespmem:s4+$0x10];
	(erf) = vrcp.f32 v10;
	v10 =	vpop (erf)  }
0x142: {  	v1 =	vld.idx.msk [tilespmem:v1+s5+$0x0], $0xffff;
	(erf) = vrcp.f32 v12;
	v12 =	vpop (erf)  }
0x143: {  	v2 =	vld.idx.msk [tilespmem:v2+s5+$0x0], $0xffff;
	v16 =	vpop (erf)  }
0x144: {  	s6 =	simm.s32 $0x40;
	v7 =	vld.idx.msk [tilespmem:v7+s5+$0x0], $0xffff;
	(erf) = vrcp.f32 v8;
	v8 =	vpop (erf)  }
0x145: {  	v13 =	vld [tilespmem:s6+$0x30];
	(erf) = vrcp.f32 v9;
	v17 =	vpop (erf)  }
0x146: {  	v0 =	vmul.f32 v11, v0;
	v11 =	vld.idx.msk [tilespmem:v4+s5+$0x0], $0xffff;
	(erf) = vrcp.f32 v14;
	v14 =	vpop (erf)  }
0x147: {  	v9 =	vld.idx.msk [tilespmem:v3+s5+$0x0], $0xffff;
	v3 =	vpop (erf)  }
0x148: {  	(erf) = vrcp.f32 v15;
	v15 =	vld.idx.msk [tilespmem:v5+s5+$0x0], $0xffff;
	v19 =	vpop (erf)  }
0x149: {  	v1 =	vmul.f32 v10, v1;
	v18 =	vmul.f32 v12, v0;
	v21 =	vpop (erf)  }
0x14a: {  	v20 =	vld.idx.msk [tilespmem:v6+s5+$0x0], $0xffff;
	v10 =	vmul.f32 v16, v2;
	v0 =	vmul.f32 v3, v7;
	v3 =	vpop (erf)  }
0x14b: {  	v22 =	vld [tilespmem:s6+$0xFFFFFFC0];
	v6 =	vmul.f32 v12, v13;
	v4 =	vpop (erf)  }
0x14c: {  	v5 =	vld [tilespmem:s6+$0xFFFFFFD0];
	v2 =	vmul.f32 v3, v1;
	v1 =	vmul.f32 v4, v10  }
0x14d: {  	v7 =	vld [tilespmem:s6+$0xFFFFFFE0];
	v10 =	vmul.f32 v17, v11;
	v17 =	vmul.f32 v14, v15  }
0x14e: {  	v8 =	vmul.f32 v8, v9;
	v9 =	vld [tilespmem:s6+$0xFFFFFFF0];
	v11 =	vpop (erf)  }
0x14f: {  	v12 =	vld [tilespmem:s6+$0x0];
	v16 =	vsub.f32 v18, v6;
	v18 =	vmul.f32 v19, v20;
	v0 =	vmul.f32 v21, v0;
	v14 =	vpop (erf)  }
0x150: {  	s7 =	simm.s32 $0x5FC0;
	v13 =	vld [tilespmem:s6+$0x10];
	v19 =	vmul.f32 v21, v22;
	v6 =	vmul.f32 v11, v8;
	v15 =	vpop (erf)  }
0x151: {  	s8 =	simm.s32 $0x0;
	s9 =	simm.s32 $0x31C0;
	[tilespmem:s7+$0x30] =	vst v16;
	v16 =	vld [tilespmem:s6+$0x20];
	v8 =	vmul.f32 v14, v10;
	v10 =	vmul.f32 v15, v17;
	v17 =	vpop (erf)  }
.LBB2_17:
0x152: {  	v20 =	vld [tilespmem:s9+$0x30];
	s8 =	sadd.s32 $0x80, s8;
	v3 =	vmul.f32 v3, v5;
	v5 =	vmul.f32 v17, v18  }
0x153: {  	v4 =	vmul.f32 v4, v7;
	v18 =	vld [tilespmem:s9+$0xFFFFFFD0];
	p0 =	slt.u32 s8, $0x1800;
	v0 =	vsub.f32 v0, v19;
	v7 =	vmul.f32 v11, v9  }
0x154: {  	v9 =	vld [tilespmem:s9+$0xFFFFFFE0];
	v2 =	vsub.f32 v2, v3;
	v3 =	vmul.f32 v14, v12  }
0x155: {  	v11 =	vld [tilespmem:s9+$0xFFFFFFF0];
	[tilespmem:s7+$0xFFFFFFC0] =	vst v0;
	v0 =	vsub.f32 v1, v4;
	v1 =	vsub.f32 v6, v7;
	v4 =	vmul.f32 v15, v13  }
0x156: {  	v6 =	vld [tilespmem:s9+$0x0];
	[tilespmem:s7+$0xFFFFFFD0] =	vst v2;
	v2 =	vsub.f32 v8, v3;
	v3 =	vmul.f32 v17, v16  }
0x157: {  	v7 =	vld [tilespmem:s9+$0x10];
	[tilespmem:s7+$0xFFFFFFE0] =	vst v0;
	v0 =	vsub.f32 v10, v4  }
0x158: {  	v4 =	vld [tilespmem:s9+$0x20];
	[tilespmem:s7+$0xFFFFFFF0] =	vst v1;
	v1 =	vsub.f32 v5, v3  }
0x159: {  	v3 =	vld [tilespmem:s9+$0xFFFFFFC0];
	[tilespmem:s7+$0x0] =	vst v2  }
0x15a: {  	v2 =	vld.idx.msk [tilespmem:v20+s3+$0x0], $0xffff;
	[tilespmem:s7+$0x10] =	vst v0  }
0x15b: {  	v0 =	vld.idx.msk [tilespmem:v18+s3+$0x0], $0xffff;
	[tilespmem:s7+$0x20] =	vst v1  }
0x15c: {  	s4 =	sadd.s32 $0x80, s4;
	v1 =	vld.idx.msk [tilespmem:v9+s3+$0x0], $0xffff  }
0x15d: {  	v5 =	vld [tilespmem:s4+$0x30]  }
0x15e: {  	v8 =	vld.idx.msk [tilespmem:v11+s3+$0x0], $0xffff  }
0x15f: {  	v10 =	vld.idx.msk [tilespmem:v6+s3+$0x0], $0xffff  }
0x160: {  	v12 =	vld.idx.msk [tilespmem:v7+s3+$0x0], $0xffff;
	(erf) = vrcp.f32 v2  }
0x161: {  	v2 =	vld.idx.msk [tilespmem:v3+s3+$0x0], $0xffff;
	(erf) = vrcp.f32 v0  }
0x162: {  	v0 =	vld.idx.msk [tilespmem:v4+s3+$0x0], $0xffff;
	(erf) = vrcp.f32 v5  }
0x163: {  	v5 =	vld [tilespmem:s4+$0xFFFFFFC0];
	(erf) = vrcp.f32 v1  }
0x164: {  	v1 =	vld.idx.msk [tilespmem:v20+s5+$0x0], $0xffff;
	(erf) = vrcp.f32 v8  }
0x165: {  	v8 =	vld [tilespmem:s4+$0xFFFFFFD0];
	(erf) = vrcp.f32 v10  }
0x166: {  	s6 =	sadd.s32 $0x80, s6;
	v10 =	vld [tilespmem:s4+$0xFFFFFFE0];
	(erf) = vrcp.f32 v12  }
0x167: {  	v12 =	vld [tilespmem:s6+$0x30];
	(erf) = vrcp.f32 v2  }
0x168: {  	v2 =	vld [tilespmem:s4+$0xFFFFFFF0];
	(erf) = vrcp.f32 v0  }
0x169: {  	v0 =	vld [tilespmem:s4+$0x0];
	(erf) = vrcp.f32 v5;
	v5 =	vpop (erf)  }
0x16a: {  	v13 =	vld [tilespmem:s4+$0x10];
	v1 =	vmul.f32 v5, v1;
	(erf) = vrcp.f32 v8;
	v5 =	vpop (erf)  }
0x16b: {  	v8 =	vld [tilespmem:s4+$0x20];
	(erf) = vrcp.f32 v10;
	v10 =	vpop (erf)  }
0x16c: {  	v3 =	vld.idx.msk [tilespmem:v3+s5+$0x0], $0xffff;
	v1 =	vmul.f32 v10, v1;
	v16 =	vmul.f32 v10, v12;
	v12 =	vpop (erf)  }
0x16d: {  	v14 =	vld.idx.msk [tilespmem:v18+s5+$0x0], $0xffff;
	(erf) = vrcp.f32 v2;
	v15 =	vpop (erf)  }
0x16e: {  	v2 =	vld.idx.msk [tilespmem:v9+s5+$0x0], $0xffff;
	v1 =	vsub.f32 v1, v16;
	(erf) = vrcp.f32 v0;
	v10 =	vpop (erf)  }
0x16f: {  	s7 =	sadd.s32 $0x80, s7;
	v9 =	vld.idx.msk [tilespmem:v11+s5+$0x0], $0xffff;
	(erf) = vrcp.f32 v13;
	v13 =	vpop (erf)  }
0x170: {  	v6 =	vld.idx.msk [tilespmem:v6+s5+$0x0], $0xffff;
	[tilespmem:s7+$0x30] =	vst v1;
	v0 =	vpop (erf);
	(erf) = vrcp.f32 v8  }
0x171: {  	v8 =	vld.idx.msk [tilespmem:v7+s5+$0x0], $0xffff;
	v16 =	vpop (erf)  }
0x172: {  	v0 =	vmul.f32 v0, v3;
	v17 =	vld.idx.msk [tilespmem:v4+s5+$0x0], $0xffff;
	v19 =	vpop (erf)  }
0x173: {  	v1 =	vmul.f32 v5, v14;
	v20 =	vld [tilespmem:s6+$0xFFFFFFC0];
	v3 =	vpop (erf)  }
0x174: {  	v0 =	vmul.f32 v19, v0;
	v18 =	vmul.f32 v12, v2;
	v5 =	vld [tilespmem:s6+$0xFFFFFFD0];
	v4 =	vpop (erf)  }
.Ltmp11:
0x175: {  	v2 =	vmul.f32 v3, v1;
	v12 =	vmul.f32 v15, v9;
	v7 =	vld [tilespmem:s6+$0xFFFFFFE0];
	(pc) =	sbr.rel @p0 .LBB2_17-.Ltmp11, $4  }
0x176: {  	v1 =	vmul.f32 v4, v18;
	v10 =	vmul.f32 v10, v6;
	v9 =	vld [tilespmem:s6+$0xFFFFFFF0];
	v11 =	vpop (erf)  }
0x177: {  	v21 =	vmul.f32 v13, v8;
	v6 =	vmul.f32 v11, v12;
	v12 =	vld [tilespmem:s6+$0x0];
	v14 =	vpop (erf)  }
0x178: {  	v18 =	vmul.f32 v16, v17;
	v8 =	vmul.f32 v14, v10;
	v13 =	vld [tilespmem:s6+$0x10];
	v15 =	vpop (erf)  }
0x179: {  	s9 =	sadd.s32 $0x80, s9;
	v19 =	vmul.f32 v19, v20;
	v10 =	vmul.f32 v15, v21;
	v16 =	vld [tilespmem:s6+$0x20];
	v17 =	vpop (erf)  }
0x17a: {  	v3 =	vmul.f32 v3, v5  }
0x17b: {  	v4 =	vmul.f32 v4, v7;
	v0 =	vsub.f32 v0, v19  }
0x17c: {  	v55 =	vmul.f32 v11, v9;
	v2 =	vsub.f32 v2, v3  }
0x17d: {  	v56 =	vmul.f32 v14, v12;
	v57 =	vsub.f32 v1, v4;
	[tilespmem:s7+$0xFFFFFFC0] =	vst v0  }
0x17e: {  	v58 =	vsub.f32 v6, v55;
	v59 =	vmul.f32 v15, v13;
	[tilespmem:s7+$0xFFFFFFD0] =	vst v2  }
0x17f: {  	v60 =	vmul.f32 v17, v18;
	v3 =	vsub.f32 v8, v56;
	v61 =	vmul.f32 v17, v16;
	[tilespmem:s7+$0xFFFFFFE0] =	vst v57  }
0x180: {  	v62 =	vsub.f32 v10, v59;
	[tilespmem:s7+$0xFFFFFFF0] =	vst v58  }
0x181: {  	v63 =	vsub.f32 v60, v61;
	[tilespmem:s7+$0x0] =	vst v3  }
0x182: {  	[tilespmem:s7+$0x10] =	vst v62  }
0x183: {  	s3 =	simm.s32 $0x0;
	s4 =	simm.s32 $0x5F80;
	s31 =	simm.s32 $0x3;
	[tilespmem:s7+$0x20] =	vst v63  }
0x184: {  	[hbm4b:s2+s3] =	stream.linear.scatter [tilespmem:s4], [sflag:$0x3], $0x1880, $0x38;
	[tilespmem:$0xA280] =	vst v63  }
0x185: {  	_ =	swait.ge [sflag:s31], $0x1880  }
0x186: {  	[sflag:s31] =	ssyncset.done $0x0  }
0x187: {  	[sflag:s31] =	ssyncadd.s32 $0xFFFFE780  }
0x188: {  	_ =	sfence.sel $0x180000  }
0x189: {  	[bflag:$0x0] =	sbarrier.arrive $0xFFFF  }
0x18a: {  	p0 =	sne.s32 s0, $0x0;
	_ =	strace $0x90000047  }
0x18b: {  	s0 =	sadd.s32 @!p0 $0x100000, s1;
	[bflag:$0x2] =	sbarrier.arrive $0xFFFF  }
0x18c: {  	[sflag:s0] =	ssyncadd.tile.s32 @!p0 $0x1;
	_ =	shalt  }
.Lfunc_end2:
_tile_overlayer_lowered:
.L_overlay_start_2:
0x18d: {  	(tag) =	ssettag $0x2  }
0x18e: {  	s0 =	rddreg [dreg:$0x0];
	s2 =	stileid.u32  }
0x18f: {  	s1 =	rddreg [dreg:$0x1];
	p0 =	sne.s32 s2, $0x0  }
0x190: {  	s3 =	rddreg [dreg:$0x2];
	[bflag:$0x3] =	sbarrier.arrive $0xFFFF;
	s2 =	simm.s32 @!p0 $0x1C03  }
0x191: {  	[timem:s3], [sflag:s2] =	dma.local @!p0 [hbm:s0], s1  }
0x192: {  	s0 =	simm.s32 @!p0 $0x3  }
0x193: {  	_ =	swait.ge @!p0 [sflag:s0], s1  }
0x194: {  	s1 =	ssub.s32 @!p0 $0x0, s1;
	[sflag:s0] =	ssyncset.done @!p0 $0x0  }
0x195: {  	[sflag:s0] =	ssyncadd.s32 @!p0 s1  }
0x196: {  	[bflag:$0x3] =	sbarrier.arrive $0xFFFF  }
0x197: {  	_ =	shalt  }

</sc_bundles>
